<compile_context>
chip_gen: v7x
topology: tpu7x:2x2x1
jax: 0.10.2.dev20260603
libtpu: 0.0.44.dev20260713+nightly
codegen_flags: <defaults>
</compile_context>

<pallas_src>
import functools

import jax
import jax.numpy as jnp
from jax import lax
from jax.experimental import pallas as pl
from jax.experimental.pallas import tpu as pltpu
from jax.experimental.pallas import tpu_sc as plsc

N = 10000
D = 128
NP = 10240
NC = 2
NS = 16
NW = NC * NS
CH = 128
NCHUNK = 79
EPT = NCHUNK * CH
DUMMY = 10200
RPT = NP // NS

_mesh = plsc.VectorSubcoreMesh(core_axis_name="c", subcore_axis_name="s")


@functools.partial(
    pl.kernel,
    mesh=_mesh,
    out_type=jax.ShapeDtypeStruct((NC, NP, 16), jnp.float32),
    scratch_types=[
        pltpu.VMEM((NCHUNK, CH), jnp.int32),
        pltpu.VMEM((CH, 16), jnp.float32),
        pltpu.VMEM((RPT, 16), jnp.float32),
        pltpu.VMEM_SHARED((NP, 16), jnp.float32),
    ],
)
def _hist(dst_hbm, deg_out, dst_v, ones_v, zero_v, deg_sp):
    c = lax.axis_index("c")
    s = lax.axis_index("s")
    wid = c * NS + s

    def fill(r, carry):
        ones_v[r, :] = jnp.ones((16,), jnp.float32)
        return carry

    lax.fori_loop(0, CH, fill, 0)

    def zfill(r, carry):
        zero_v[r, :] = jnp.zeros((16,), jnp.float32)
        return carry

    lax.fori_loop(0, RPT, zfill, 0)
    pltpu.sync_copy(zero_v, deg_sp.at[pl.ds(0, RPT)])
    pltpu.sync_copy(dst_hbm.at[wid], dst_v)
    plsc.subcore_barrier()

    def add_chunk(j, carry):
        pltpu.sync_copy(ones_v, deg_sp.at[dst_v.at[j]], add=True)
        return carry

    lax.fori_loop(0, NCHUNK, add_chunk, 0)
    plsc.subcore_barrier()
    pltpu.sync_copy(deg_sp.at[pl.ds(0, RPT)], zero_v)
    pltpu.sync_copy(zero_v, deg_out.at[c, pl.ds(s * RPT, RPT)])


@functools.partial(
    pl.kernel,
    mesh=_mesh,
    out_type=jax.ShapeDtypeStruct((NC, NP, D), jnp.float32),
    scratch_types=[
        pltpu.VMEM((NCHUNK, CH), jnp.int32),
        pltpu.VMEM((NCHUNK, CH), jnp.int32),
        pltpu.VMEM((CH, D), jnp.float32),
        pltpu.SemaphoreType.DMA,
        pltpu.VMEM_SHARED((NP, D), jnp.float32),
    ],
)
def _gather_scatter(xs_hbm, src_hbm, dst_hbm, s_out,
                    src_v, dst_v, row_a, sem_a, s_sp):
    c = lax.axis_index("c")
    s = lax.axis_index("s")
    wid = c * NS + s

    def zfill(r, carry):
        for k in range(D // 16):
            row_a[r, pl.ds(k * 16, 16)] = jnp.zeros((16,), jnp.float32)
        return carry

    lax.fori_loop(0, CH, zfill, 0)
    for t in range(RPT // CH):
        pltpu.sync_copy(row_a, s_sp.at[pl.ds(t * CH, CH)])
    pltpu.sync_copy(src_hbm.at[wid], src_v)
    pltpu.sync_copy(dst_hbm.at[wid], dst_v)
    plsc.subcore_barrier()

    def body(j, carry):
        pltpu.async_copy(xs_hbm.at[src_v.at[j]], row_a, sem_a).wait()
        pltpu.sync_copy(row_a, s_sp.at[dst_v.at[j]], add=True)
        return carry

    lax.fori_loop(0, NCHUNK, body, 0)
    plsc.subcore_barrier()
    for t in range(RPT // CH):
        pltpu.sync_copy(s_sp.at[pl.ds(t * CH, CH)], row_a)
        pltpu.sync_copy(row_a, s_out.at[c, pl.ds(s * RPT + t * CH, CH)])


def _prescale_body(deg_ref, x_ref, xs_ref):
    d = deg_ref[0, :, 0:1] + deg_ref[1, :, 0:1] + 1.0
    xs_ref[...] = x_ref[...] * lax.rsqrt(d)


def _finish_body(xs_ref, s_ref, deg_ref, w_ref, b_ref, o_ref):
    d = deg_ref[0, :, 0:1] + deg_ref[1, :, 0:1] + 1.0
    agg = (xs_ref[...] + s_ref[0] + s_ref[1]) * lax.rsqrt(d)
    acc = lax.dot_general(agg, w_ref[...], (((1,), (1,)), ((), ())),
                          preferred_element_type=jnp.float32)
    o_ref[...] = jnp.maximum(acc + b_ref[...], 0.0)


_RB = 1000


def kernel(x, edge_index, num_nodes, W, b):
    del num_nodes
    ei = edge_index.astype(jnp.int32)
    src = ei[1]
    dst = ei[0]
    e = src.shape[0]
    pad = NW * EPT - e
    src_p = jnp.concatenate(
        [src, jnp.zeros((pad,), jnp.int32)]).reshape(NW, NCHUNK, CH)
    dst_p = jnp.concatenate(
        [dst, jnp.full((pad,), DUMMY, jnp.int32)]).reshape(NW, NCHUNK, CH)

    deg = _hist(dst_p)

    xs = pl.pallas_call(
        _prescale_body,
        grid=(N // _RB,),
        in_specs=[
            pl.BlockSpec((NC, _RB, 16), lambda i: (0, i, 0)),
            pl.BlockSpec((_RB, D), lambda i: (i, 0)),
        ],
        out_specs=pl.BlockSpec((_RB, D), lambda i: (i, 0)),
        out_shape=jax.ShapeDtypeStruct((N, D), jnp.float32),
    )(deg, x)

    s_part = _gather_scatter(xs, src_p, dst_p)

    out = pl.pallas_call(
        _finish_body,
        grid=(N // _RB,),
        in_specs=[
            pl.BlockSpec((_RB, D), lambda i: (i, 0)),
            pl.BlockSpec((NC, _RB, D), lambda i: (0, i, 0)),
            pl.BlockSpec((NC, _RB, 16), lambda i: (0, i, 0)),
            pl.BlockSpec((D, D), lambda i: (0, 0)),
            pl.BlockSpec((1, D), lambda i: (0, 0)),
        ],
        out_specs=pl.BlockSpec((_RB, D), lambda i: (i, 0)),
        out_shape=jax.ShapeDtypeStruct((N, D), jnp.float32),
    )(xs, s_part, deg, W, b.reshape(1, D))
    return out

# --- scband reference (transcript-rebuilt; emitter-appended) ---
"""Pipeline reference for scband-simple-gcnlayer-1030792151101 (READ-ONLY COPY).

The authoritative reference and input builder live on the scoring server;
editing this copy changes nothing except your own understanding.
"""

import jax, jax.numpy as jnp
import numpy as np

N_NODES = 10000
N_EDGES = 320000
D = 128

def setup_inputs(seed: int = 0) -> dict:
    key = jax.random.key(seed)
    k1, k2, k3, k4 = jax.random.split(key, 4)
    x = jax.random.normal(k1, (N_NODES, D), dtype=jnp.float32)
    edge_index = jax.random.randint(k2, (2, N_EDGES), 0, N_NODES)
    W = jax.random.normal(k3, (D, D), dtype=jnp.float32) * 0.05
    b = jax.random.normal(k4, (D,), dtype=jnp.float32) * 0.05
    return {"x": x, "edge_index": edge_index, "num_nodes": N_NODES, "W": W, "b": b}

def reference(x, edge_index, num_nodes, W, b):
    # add self loops
    n = x.shape[0]
    self_loop = jnp.arange(n, dtype=edge_index.dtype)
    self_loop = self_loop % jnp.asarray(num_nodes, dtype=edge_index.dtype)
    self_loop = jnp.stack([self_loop, self_loop])
    ei = jnp.concatenate([edge_index, self_loop], axis=1)
    # symmetric degree normalization
    deg = jnp.bincount(ei[0], length=n).astype(jnp.float32)
    deg_inv_sqrt = jnp.where(deg > 0, deg ** -0.5, 0.0)
    norm = deg_inv_sqrt[ei[0]] * deg_inv_sqrt[ei[1]]
    # gather source features, scale, scatter-add to destinations
    messages = norm[:, None] * x[ei[1]]
    agg = jnp.zeros_like(x).at[ei[0]].add(messages)
    # linear + relu
    return jax.nn.relu(agg @ W.T + b)

if __name__ == "__main__":
    import jax
    _d = setup_inputs()
    print(jax.jit(kernel)(*tuple(_d.values())))

</pallas_src>

<mosaic_0001>
#map = affine_map<(d0, d1) -> (0, 0, 0)>
module attributes {stable_mosaic.version = 14 : i64} {
  func.func @_hist(%arg0: i32, %arg1: i32, %arg2: memref<32x79x128xi32, #tpu.memory_space<hbm>>, %arg3: memref<2x10240x16xf32, #tpu.memory_space<hbm>>, %arg4: memref<79x128xi32, #tpu.memory_space<vmem>>, %arg5: memref<128x16xf32, #tpu.memory_space<vmem>>, %arg6: memref<640x16xf32, #tpu.memory_space<vmem>>, %arg7: memref<10240x16xf32, #tpu.memory_space<vmem_shared>>) attributes {dimension_semantics = [#tpu.dimension_semantics<core_parallel>, #tpu.dimension_semantics<subcore_parallel>], iteration_bounds = array<i64: 2, 16>, scalar_prefetch = 0 : i64, scratch_operands = 4 : i64, tpu.core_type = #tpu.core_type<sc_vector_subcore>, window_params = [{transform_indices = #map}, {transform_indices = #map}]} {
    %mul3A = arith.constant 16 : i32
    %mul3A_0 = arith.muli %arg0, %mul3A : i32
    %add3A = arith.addi %mul3A_0, %arg1 : i32
    %scan3A = arith.constant 0 : i32
    %scan3A_1 = arith.constant 0 : i32
    %scan3A_2 = arith.constant 128 : i32
    %scan3A_3 = arith.addi %scan3A_1, %scan3A_2 : i32
    %scan3A_4 = arith.constant 1 : i32
    scf.for %scan3A_21 = %scan3A_1 to %scan3A_3 step %scan3A_4  : i32 {
      %broadcast_in_dim3A = arith.constant 1.000000e+00 : f32
      %broadcast_in_dim3A_22 = vector.broadcast %broadcast_in_dim3A : f32 to vector<16xf32>
      %swap3A = arith.index_cast %scan3A_21 : i32 to index
      %swap3A_23 = arith.constant 0 : index
      %swap3A_24 = tpu.vector_load %arg5[%swap3A, %swap3A_23] {strides = array<i32>} : memref<128x16xf32, #tpu.memory_space<vmem>>, vector<1x16xf32>,
      %swap3A_25 = vector.shape_cast %swap3A_24 : vector<1x16xf32> to vector<16xf32>
      %swap3A_26 = vector.shape_cast %broadcast_in_dim3A_22 : vector<16xf32> to vector<1x16xf32>
      tpu.vector_store %arg5[%swap3A, %swap3A_23], %swap3A_26 {strides = array<i32>} : memref<128x16xf32, #tpu.memory_space<vmem>>, vector<1x16xf32>,
    }
    %scan3A_5 = arith.constant 128 : i32
    %scan3A_6 = arith.constant 0 : i32
    %scan3A_7 = arith.constant 0 : i32
    %scan3A_8 = arith.constant 640 : i32
    %scan3A_9 = arith.addi %scan3A_7, %scan3A_8 : i32
    %scan3A_10 = arith.constant 1 : i32
    scf.for %scan3A_21 = %scan3A_7 to %scan3A_9 step %scan3A_10  : i32 {
      %broadcast_in_dim3A = arith.constant 0.000000e+00 : f32
      %broadcast_in_dim3A_22 = vector.broadcast %broadcast_in_dim3A : f32 to vector<16xf32>
      %swap3A = arith.index_cast %scan3A_21 : i32 to index
      %swap3A_23 = arith.constant 0 : index
      %swap3A_24 = tpu.vector_load %arg6[%swap3A, %swap3A_23] {strides = array<i32>} : memref<640x16xf32, #tpu.memory_space<vmem>>, vector<1x16xf32>,
      %swap3A_25 = vector.shape_cast %swap3A_24 : vector<1x16xf32> to vector<16xf32>
      %swap3A_26 = vector.shape_cast %broadcast_in_dim3A_22 : vector<16xf32> to vector<1x16xf32>
      tpu.vector_store %arg6[%swap3A, %swap3A_23], %swap3A_26 {strides = array<i32>} : memref<640x16xf32, #tpu.memory_space<vmem>>, vector<1x16xf32>,
    }
    %scan3A_11 = arith.constant 640 : i32
    "tpu.region"() ({
      %run_scoped3A = tpu.sem_alloc : memref<!tpu.dma_semaphore, #tpu.memory_space<semaphore_mem>>
      %dma_start3A = arith.constant 0 : i32
      %dma_start3A_21 = arith.constant 0 : i32
      %dma_start3A_22 = tpu.memref_slice %arg7[%dma_start3A, %dma_start3A_21] : memref<10240x16xf32, #tpu.memory_space<vmem_shared>> -> memref<640x16xf32, #tpu.memory_space<vmem_shared>>
      %dma_start3A_23 = arith.constant 0 : i32
      %dma_start3A_24 = arith.constant 0 : i32
      %dma_start3A_25 = tpu.memref_slice %arg7[%dma_start3A_23, %dma_start3A_24] : memref<10240x16xf32, #tpu.memory_space<vmem_shared>> -> memref<640x16xf32, #tpu.memory_space<vmem_shared>>
      tpu.enqueue_dma source(%arg6 : memref<640x16xf32, #tpu.memory_space<vmem>>) target(%dma_start3A_25 : memref<640x16xf32, #tpu.memory_space<vmem_shared>>) target_semaphore(%run_scoped3A : memref<!tpu.dma_semaphore, #tpu.memory_space<semaphore_mem>>)
      %dma_wait3A = arith.constant 0 : i32
      %dma_wait3A_26 = arith.constant 0 : i32
      %dma_wait3A_27 = tpu.memref_slice %arg7[%dma_wait3A, %dma_wait3A_26] : memref<10240x16xf32, #tpu.memory_space<vmem_shared>> -> memref<640x16xf32, #tpu.memory_space<vmem_shared>>
      %dma_wait3A_28 = arith.constant 0 : i32
      %dma_wait3A_29 = arith.constant 0 : i32
      %dma_wait3A_30 = tpu.memref_slice %arg7[%dma_wait3A_28, %dma_wait3A_29] : memref<10240x16xf32, #tpu.memory_space<vmem_shared>> -> memref<640x16xf32, #tpu.memory_space<vmem_shared>>
      tpu.wait_dma2 semaphore(%run_scoped3A : memref<!tpu.dma_semaphore, #tpu.memory_space<semaphore_mem>>) src(%arg6 : memref<640x16xf32, #tpu.memory_space<vmem>>) dst(%dma_wait3A_30 : memref<640x16xf32, #tpu.memory_space<vmem_shared>>)
      tpu.yield
    }) : () -> ()
    "tpu.region"() ({
      %run_scoped3A = tpu.sem_alloc : memref<!tpu.dma_semaphore, #tpu.memory_space<semaphore_mem>>
      %dma_start3A = arith.constant 0 : i32
      %dma_start3A_21 = arith.constant 0 : i32
      %dma_start3A_22 = tpu.memref_slice %arg2[%add3A, %dma_start3A, %dma_start3A_21] : memref<32x79x128xi32, #tpu.memory_space<hbm>> -> memref<1x79x128xi32, #tpu.memory_space<hbm>>
      %dma_start3A_23 = tpu.memref_squeeze %dma_start3A_22 : memref<1x79x128xi32, #tpu.memory_space<hbm>> -> memref<79x128xi32, #tpu.memory_space<hbm>>
      %dma_start3A_24 = arith.constant 0 : i32
      %dma_start3A_25 = arith.constant 0 : i32
      %dma_start3A_26 = tpu.memref_slice %arg2[%add3A, %dma_start3A_24, %dma_start3A_25] : memref<32x79x128xi32, #tpu.memory_space<hbm>> -> memref<1x79x128xi32, #tpu.memory_space<hbm>>
      %dma_start3A_27 = tpu.memref_squeeze %dma_start3A_26 : memref<1x79x128xi32, #tpu.memory_space<hbm>> -> memref<79x128xi32, #tpu.memory_space<hbm>>
      tpu.enqueue_dma source(%dma_start3A_27 : memref<79x128xi32, #tpu.memory_space<hbm>>) target(%arg4 : memref<79x128xi32, #tpu.memory_space<vmem>>) target_semaphore(%run_scoped3A : memref<!tpu.dma_semaphore, #tpu.memory_space<semaphore_mem>>)
      %dma_wait3A = arith.constant 0 : i32
      %dma_wait3A_28 = arith.constant 0 : i32
      %dma_wait3A_29 = tpu.memref_slice %arg2[%add3A, %dma_wait3A, %dma_wait3A_28] : memref<32x79x128xi32, #tpu.memory_space<hbm>> -> memref<1x79x128xi32, #tpu.memory_space<hbm>>
      %dma_wait3A_30 = tpu.memref_squeeze %dma_wait3A_29 : memref<1x79x128xi32, #tpu.memory_space<hbm>> -> memref<79x128xi32, #tpu.memory_space<hbm>>
      %dma_wait3A_31 = arith.constant 0 : i32
      %dma_wait3A_32 = arith.constant 0 : i32
      %dma_wait3A_33 = tpu.memref_slice %arg2[%add3A, %dma_wait3A_31, %dma_wait3A_32] : memref<32x79x128xi32, #tpu.memory_space<hbm>> -> memref<1x79x128xi32, #tpu.memory_space<hbm>>
      %dma_wait3A_34 = tpu.memref_squeeze %dma_wait3A_33 : memref<1x79x128xi32, #tpu.memory_space<hbm>> -> memref<79x128xi32, #tpu.memory_space<hbm>>
      tpu.wait_dma2 semaphore(%run_scoped3A : memref<!tpu.dma_semaphore, #tpu.memory_space<semaphore_mem>>) src(%dma_wait3A_34 : memref<79x128xi32, #tpu.memory_space<hbm>>) dst(%arg4 : memref<79x128xi32, #tpu.memory_space<vmem>>)
      tpu.yield
    }) : () -> ()
    %barrier3A = arith.constant 0 : index
    tpu.barrier barrier_id(%barrier3A)
    %scan3A_12 = arith.constant 0 : i32
    %scan3A_13 = arith.constant 0 : i32
    %scan3A_14 = arith.constant 79 : i32
    %scan3A_15 = arith.addi %scan3A_13, %scan3A_14 : i32
    %scan3A_16 = arith.constant 1 : i32
    scf.for %scan3A_21 = %scan3A_13 to %scan3A_15 step %scan3A_16  : i32 {
      "tpu.region"() ({
        %run_scoped3A = tpu.sem_alloc : memref<!tpu.dma_semaphore, #tpu.memory_space<semaphore_mem>>
        %dma_start3A = arith.constant 0 : i32
        %dma_start3A_22 = tpu.memref_slice %arg4[%scan3A_21, %dma_start3A] : memref<79x128xi32, #tpu.memory_space<vmem>> -> memref<1x128xi32, #tpu.memory_space<vmem>>
        %dma_start3A_23 = tpu.memref_squeeze %dma_start3A_22 : memref<1x128xi32, #tpu.memory_space<vmem>> -> memref<128xi32, #tpu.memory_space<vmem>>
        %dma_start3A_24 = arith.constant 0 : i32
        %dma_start3A_25 = arith.constant 0 : i32
        %dma_start3A_26 = tpu.memref_slice %arg7[%dma_start3A_24, %dma_start3A_25] : memref<10240x16xf32, #tpu.memory_space<vmem_shared>> -> memref<10240x16xf32, #tpu.memory_space<vmem_shared>>
        tpu.enqueue_indirect_dma source(%arg5 : memref<128x16xf32, #tpu.memory_space<vmem>>) target(%dma_start3A_26 : memref<10240x16xf32, #tpu.memory_space<vmem_shared>>) offsets(%dma_start3A_23 : memref<128xi32, #tpu.memory_space<vmem>>) semaphore(%run_scoped3A : memref<!tpu.dma_semaphore, #tpu.memory_space<semaphore_mem>>) {add = true}
        %dma_wait3A = arith.constant 0 : i32
        %dma_wait3A_27 = tpu.memref_slice %arg4[%scan3A_21, %dma_wait3A] : memref<79x128xi32, #tpu.memory_space<vmem>> -> memref<1x128xi32, #tpu.memory_space<vmem>>
        %dma_wait3A_28 = tpu.memref_squeeze %dma_wait3A_27 : memref<1x128xi32, #tpu.memory_space<vmem>> -> memref<128xi32, #tpu.memory_space<vmem>>
        %dma_wait3A_29 = arith.constant 0 : i32
        %dma_wait3A_30 = arith.constant 0 : i32
        %dma_wait3A_31 = tpu.memref_slice %arg7[%dma_wait3A_29, %dma_wait3A_30] : memref<10240x16xf32, #tpu.memory_space<vmem_shared>> -> memref<10240x16xf32, #tpu.memory_space<vmem_shared>>
        tpu.wait_indirect_dma semaphore(%run_scoped3A : memref<!tpu.dma_semaphore, #tpu.memory_space<semaphore_mem>>) src(%arg5 : memref<128x16xf32, #tpu.memory_space<vmem>>) dst(%dma_wait3A_31 : memref<10240x16xf32, #tpu.memory_space<vmem_shared>>)
        tpu.yield
      }) : () -> ()
    }
    %scan3A_17 = arith.constant 79 : i32
    %barrier3A_18 = arith.constant 0 : index
    tpu.barrier barrier_id(%barrier3A_18)
    "tpu.region"() ({
      %run_scoped3A = tpu.sem_alloc : memref<!tpu.dma_semaphore, #tpu.memory_space<semaphore_mem>>
      %dma_start3A = arith.constant 0 : i32
      %dma_start3A_21 = arith.constant 0 : i32
      %dma_start3A_22 = tpu.memref_slice %arg7[%dma_start3A, %dma_start3A_21] : memref<10240x16xf32, #tpu.memory_space<vmem_shared>> -> memref<640x16xf32, #tpu.memory_space<vmem_shared>>
      %dma_start3A_23 = arith.constant 0 : i32
      %dma_start3A_24 = arith.constant 0 : i32
      %dma_start3A_25 = tpu.memref_slice %arg7[%dma_start3A_23, %dma_start3A_24] : memref<10240x16xf32, #tpu.memory_space<vmem_shared>> -> memref<640x16xf32, #tpu.memory_space<vmem_shared>>
      tpu.enqueue_dma source(%dma_start3A_25 : memref<640x16xf32, #tpu.memory_space<vmem_shared>>) target(%arg6 : memref<640x16xf32, #tpu.memory_space<vmem>>) target_semaphore(%run_scoped3A : memref<!tpu.dma_semaphore, #tpu.memory_space<semaphore_mem>>)
      %dma_wait3A = arith.constant 0 : i32
      %dma_wait3A_26 = arith.constant 0 : i32
      %dma_wait3A_27 = tpu.memref_slice %arg7[%dma_wait3A, %dma_wait3A_26] : memref<10240x16xf32, #tpu.memory_space<vmem_shared>> -> memref<640x16xf32, #tpu.memory_space<vmem_shared>>
      %dma_wait3A_28 = arith.constant 0 : i32
      %dma_wait3A_29 = arith.constant 0 : i32
      %dma_wait3A_30 = tpu.memref_slice %arg7[%dma_wait3A_28, %dma_wait3A_29] : memref<10240x16xf32, #tpu.memory_space<vmem_shared>> -> memref<640x16xf32, #tpu.memory_space<vmem_shared>>
      tpu.wait_dma2 semaphore(%run_scoped3A : memref<!tpu.dma_semaphore, #tpu.memory_space<semaphore_mem>>) src(%dma_wait3A_30 : memref<640x16xf32, #tpu.memory_space<vmem_shared>>) dst(%arg6 : memref<640x16xf32, #tpu.memory_space<vmem>>)
      tpu.yield
    }) : () -> ()
    %mul3A_19 = arith.constant 640 : i32
    %mul3A_20 = arith.muli %arg1, %mul3A_19 : i32
    "tpu.region"() ({
      %run_scoped3A = tpu.sem_alloc : memref<!tpu.dma_semaphore, #tpu.memory_space<semaphore_mem>>
      %dma_start3A = arith.constant 0 : i32
      %dma_start3A_21 = tpu.memref_slice %arg3[%arg0, %mul3A_20, %dma_start3A] : memref<2x10240x16xf32, #tpu.memory_space<hbm>> -> memref<1x640x16xf32, #tpu.memory_space<hbm>>
      %dma_start3A_22 = tpu.memref_squeeze %dma_start3A_21 : memref<1x640x16xf32, #tpu.memory_space<hbm>> -> memref<640x16xf32, #tpu.memory_space<hbm>>
      %dma_start3A_23 = arith.constant 0 : i32
      %dma_start3A_24 = tpu.memref_slice %arg3[%arg0, %mul3A_20, %dma_start3A_23] : memref<2x10240x16xf32, #tpu.memory_space<hbm>> -> memref<1x640x16xf32, #tpu.memory_space<hbm>>
      %dma_start3A_25 = tpu.memref_squeeze %dma_start3A_24 : memref<1x640x16xf32, #tpu.memory_space<hbm>> -> memref<640x16xf32, #tpu.memory_space<hbm>>
      tpu.enqueue_dma source(%arg6 : memref<640x16xf32, #tpu.memory_space<vmem>>) target(%dma_start3A_25 : memref<640x16xf32, #tpu.memory_space<hbm>>) target_semaphore(%run_scoped3A : memref<!tpu.dma_semaphore, #tpu.memory_space<semaphore_mem>>)
      %dma_wait3A = arith.constant 0 : i32
      %dma_wait3A_26 = tpu.memref_slice %arg3[%arg0, %mul3A_20, %dma_wait3A] : memref<2x10240x16xf32, #tpu.memory_space<hbm>> -> memref<1x640x16xf32, #tpu.memory_space<hbm>>
      %dma_wait3A_27 = tpu.memref_squeeze %dma_wait3A_26 : memref<1x640x16xf32, #tpu.memory_space<hbm>> -> memref<640x16xf32, #tpu.memory_space<hbm>>
      %dma_wait3A_28 = arith.constant 0 : i32
      %dma_wait3A_29 = tpu.memref_slice %arg3[%arg0, %mul3A_20, %dma_wait3A_28] : memref<2x10240x16xf32, #tpu.memory_space<hbm>> -> memref<1x640x16xf32, #tpu.memory_space<hbm>>
      %dma_wait3A_30 = tpu.memref_squeeze %dma_wait3A_29 : memref<1x640x16xf32, #tpu.memory_space<hbm>> -> memref<640x16xf32, #tpu.memory_space<hbm>>
      tpu.wait_dma2 semaphore(%run_scoped3A : memref<!tpu.dma_semaphore, #tpu.memory_space<semaphore_mem>>) src(%arg6 : memref<640x16xf32, #tpu.memory_space<vmem>>) dst(%dma_wait3A_30 : memref<640x16xf32, #tpu.memory_space<hbm>>)
      tpu.yield
    }) : () -> ()
    return
  }
}

#map = affine_map<(d0, d1) -> (0, 0)>
#map1 = affine_map<(d0, d1) -> (0, 0, 0)>
module attributes {stable_mosaic.version = 14 : i64} {
  func.func @_gather_scatter(%arg0: i32, %arg1: i32, %arg2: memref<10000x128xf32, #tpu.memory_space<hbm>>, %arg3: memref<32x79x128xi32, #tpu.memory_space<hbm>>, %arg4: memref<32x79x128xi32, #tpu.memory_space<hbm>>, %arg5: memref<2x10240x128xf32, #tpu.memory_space<hbm>>, %arg6: memref<79x128xi32, #tpu.memory_space<vmem>>, %arg7: memref<79x128xi32, #tpu.memory_space<vmem>>, %arg8: memref<128x128xf32, #tpu.memory_space<vmem>>, %arg9: memref<!tpu.dma_semaphore, #tpu.memory_space<semaphore_mem>>, %arg10: memref<10240x128xf32, #tpu.memory_space<vmem_shared>>) attributes {dimension_semantics = [#tpu.dimension_semantics<core_parallel>, #tpu.dimension_semantics<subcore_parallel>], iteration_bounds = array<i64: 2, 16>, scalar_prefetch = 0 : i64, scratch_operands = 5 : i64, tpu.core_type = #tpu.core_type<sc_vector_subcore>, window_params = [{transform_indices = #map}, {transform_indices = #map1}, {transform_indices = #map1}, {transform_indices = #map1}]} {
    %mul3A = arith.constant 16 : i32
    %mul3A_0 = arith.muli %arg0, %mul3A : i32
    %add3A = arith.addi %mul3A_0, %arg1 : i32
    %scan3A = arith.constant 0 : i32
    %scan3A_1 = arith.constant 0 : i32
    %scan3A_2 = arith.constant 128 : i32
    %scan3A_3 = arith.addi %scan3A_1, %scan3A_2 : i32
    %scan3A_4 = arith.constant 1 : i32
    scf.for %scan3A_33 = %scan3A_1 to %scan3A_3 step %scan3A_4  : i32 {
      %broadcast_in_dim3A = arith.constant 0.000000e+00 : f32
      %broadcast_in_dim3A_34 = vector.broadcast %broadcast_in_dim3A : f32 to vector<16xf32>
      %swap3A = arith.index_cast %scan3A_33 : i32 to index
      %swap3A_35 = arith.constant 0 : index
      %swap3A_36 = tpu.vector_load %arg8[%swap3A, %swap3A_35] {strides = array<i32>} : memref<128x128xf32, #tpu.memory_space<vmem>>, vector<1x16xf32>,
      %swap3A_37 = vector.shape_cast %swap3A_36 : vector<1x16xf32> to vector<16xf32>
      %swap3A_38 = vector.shape_cast %broadcast_in_dim3A_34 : vector<16xf32> to vector<1x16xf32>
      tpu.vector_store %arg8[%swap3A, %swap3A_35], %swap3A_38 {strides = array<i32>} : memref<128x128xf32, #tpu.memory_space<vmem>>, vector<1x16xf32>,
      %broadcast_in_dim3A_39 = arith.constant 0.000000e+00 : f32
      %broadcast_in_dim3A_40 = vector.broadcast %broadcast_in_dim3A_39 : f32 to vector<16xf32>
      %swap3A_41 = arith.index_cast %scan3A_33 : i32 to index
      %swap3A_42 = arith.constant 16 : index
      %swap3A_43 = tpu.vector_load %arg8[%swap3A_41, %swap3A_42] {strides = array<i32>} : memref<128x128xf32, #tpu.memory_space<vmem>>, vector<1x16xf32>,
      %swap3A_44 = vector.shape_cast %swap3A_43 : vector<1x16xf32> to vector<16xf32>
      %swap3A_45 = vector.shape_cast %broadcast_in_dim3A_40 : vector<16xf32> to vector<1x16xf32>
      tpu.vector_store %arg8[%swap3A_41, %swap3A_42], %swap3A_45 {strides = array<i32>} : memref<128x128xf32, #tpu.memory_space<vmem>>, vector<1x16xf32>,
      %broadcast_in_dim3A_46 = arith.constant 0.000000e+00 : f32
      %broadcast_in_dim3A_47 = vector.broadcast %broadcast_in_dim3A_46 : f32 to vector<16xf32>
      %swap3A_48 = arith.index_cast %scan3A_33 : i32 to index
      %swap3A_49 = arith.constant 32 : index
      %swap3A_50 = tpu.vector_load %arg8[%swap3A_48, %swap3A_49] {strides = array<i32>} : memref<128x128xf32, #tpu.memory_space<vmem>>, vector<1x16xf32>,
      %swap3A_51 = vector.shape_cast %swap3A_50 : vector<1x16xf32> to vector<16xf32>
      %swap3A_52 = vector.shape_cast %broadcast_in_dim3A_47 : vector<16xf32> to vector<1x16xf32>
      tpu.vector_store %arg8[%swap3A_48, %swap3A_49], %swap3A_52 {strides = array<i32>} : memref<128x128xf32, #tpu.memory_space<vmem>>, vector<1x16xf32>,
      %broadcast_in_dim3A_53 = arith.constant 0.000000e+00 : f32
      %broadcast_in_dim3A_54 = vector.broadcast %broadcast_in_dim3A_53 : f32 to vector<16xf32>
      %swap3A_55 = arith.index_cast %scan3A_33 : i32 to index
      %swap3A_56 = arith.constant 48 : index
      %swap3A_57 = tpu.vector_load %arg8[%swap3A_55, %swap3A_56] {strides = array<i32>} : memref<128x128xf32, #tpu.memory_space<vmem>>, vector<1x16xf32>,
      %swap3A_58 = vector.shape_cast %swap3A_57 : vector<1x16xf32> to vector<16xf32>
      %swap3A_59 = vector.shape_cast %broadcast_in_dim3A_54 : vector<16xf32> to vector<1x16xf32>
      tpu.vector_store %arg8[%swap3A_55, %swap3A_56], %swap3A_59 {strides = array<i32>} : memref<128x128xf32, #tpu.memory_space<vmem>>, vector<1x16xf32>,
      %broadcast_in_dim3A_60 = arith.constant 0.000000e+00 : f32
      %broadcast_in_dim3A_61 = vector.broadcast %broadcast_in_dim3A_60 : f32 to vector<16xf32>
      %swap3A_62 = arith.index_cast %scan3A_33 : i32 to index
      %swap3A_63 = arith.constant 64 : index
      %swap3A_64 = tpu.vector_load %arg8[%swap3A_62, %swap3A_63] {strides = array<i32>} : memref<128x128xf32, #tpu.memory_space<vmem>>, vector<1x16xf32>,
      %swap3A_65 = vector.shape_cast %swap3A_64 : vector<1x16xf32> to vector<16xf32>
      %swap3A_66 = vector.shape_cast %broadcast_in_dim3A_61 : vector<16xf32> to vector<1x16xf32>
      tpu.vector_store %arg8[%swap3A_62, %swap3A_63], %swap3A_66 {strides = array<i32>} : memref<128x128xf32, #tpu.memory_space<vmem>>, vector<1x16xf32>,
      %broadcast_in_dim3A_67 = arith.constant 0.000000e+00 : f32
      %broadcast_in_dim3A_68 = vector.broadcast %broadcast_in_dim3A_67 : f32 to vector<16xf32>
      %swap3A_69 = arith.index_cast %scan3A_33 : i32 to index
      %swap3A_70 = arith.constant 80 : index
      %swap3A_71 = tpu.vector_load %arg8[%swap3A_69, %swap3A_70] {strides = array<i32>} : memref<128x128xf32, #tpu.memory_space<vmem>>, vector<1x16xf32>,
      %swap3A_72 = vector.shape_cast %swap3A_71 : vector<1x16xf32> to vector<16xf32>
      %swap3A_73 = vector.shape_cast %broadcast_in_dim3A_68 : vector<16xf32> to vector<1x16xf32>
      tpu.vector_store %arg8[%swap3A_69, %swap3A_70], %swap3A_73 {strides = array<i32>} : memref<128x128xf32, #tpu.memory_space<vmem>>, vector<1x16xf32>,
      %broadcast_in_dim3A_74 = arith.constant 0.000000e+00 : f32
      %broadcast_in_dim3A_75 = vector.broadcast %broadcast_in_dim3A_74 : f32 to vector<16xf32>
      %swap3A_76 = arith.index_cast %scan3A_33 : i32 to index
      %swap3A_77 = arith.constant 96 : index
      %swap3A_78 = tpu.vector_load %arg8[%swap3A_76, %swap3A_77] {strides = array<i32>} : memref<128x128xf32, #tpu.memory_space<vmem>>, vector<1x16xf32>,
      %swap3A_79 = vector.shape_cast %swap3A_78 : vector<1x16xf32> to vector<16xf32>
      %swap3A_80 = vector.shape_cast %broadcast_in_dim3A_75 : vector<16xf32> to vector<1x16xf32>
      tpu.vector_store %arg8[%swap3A_76, %swap3A_77], %swap3A_80 {strides = array<i32>} : memref<128x128xf32, #tpu.memory_space<vmem>>, vector<1x16xf32>,
      %broadcast_in_dim3A_81 = arith.constant 0.000000e+00 : f32
      %broadcast_in_dim3A_82 = vector.broadcast %broadcast_in_dim3A_81 : f32 to vector<16xf32>
      %swap3A_83 = arith.index_cast %scan3A_33 : i32 to index
      %swap3A_84 = arith.constant 112 : index
      %swap3A_85 = tpu.vector_load %arg8[%swap3A_83, %swap3A_84] {strides = array<i32>} : memref<128x128xf32, #tpu.memory_space<vmem>>, vector<1x16xf32>,
      %swap3A_86 = vector.shape_cast %swap3A_85 : vector<1x16xf32> to vector<16xf32>
      %swap3A_87 = vector.shape_cast %broadcast_in_dim3A_82 : vector<16xf32> to vector<1x16xf32>
      tpu.vector_store %arg8[%swap3A_83, %swap3A_84], %swap3A_87 {strides = array<i32>} : memref<128x128xf32, #tpu.memory_space<vmem>>, vector<1x16xf32>,
    }
    %scan3A_5 = arith.constant 128 : i32
    "tpu.region"() ({
      %run_scoped3A = tpu.sem_alloc : memref<!tpu.dma_semaphore, #tpu.memory_space<semaphore_mem>>
      %dma_start3A = arith.constant 0 : i32
      %dma_start3A_33 = arith.constant 0 : i32
      %dma_start3A_34 = tpu.memref_slice %arg10[%dma_start3A, %dma_start3A_33] : memref<10240x128xf32, #tpu.memory_space<vmem_shared>> -> memref<128x128xf32, #tpu.memory_space<vmem_shared>>
      %dma_start3A_35 = arith.constant 0 : i32
      %dma_start3A_36 = arith.constant 0 : i32
      %dma_start3A_37 = tpu.memref_slice %arg10[%dma_start3A_35, %dma_start3A_36] : memref<10240x128xf32, #tpu.memory_space<vmem_shared>> -> memref<128x128xf32, #tpu.memory_space<vmem_shared>>
      tpu.enqueue_dma source(%arg8 : memref<128x128xf32, #tpu.memory_space<vmem>>) target(%dma_start3A_37 : memref<128x128xf32, #tpu.memory_space<vmem_shared>>) target_semaphore(%run_scoped3A : memref<!tpu.dma_semaphore, #tpu.memory_space<semaphore_mem>>)
      %dma_wait3A = arith.constant 0 : i32
      %dma_wait3A_38 = arith.constant 0 : i32
      %dma_wait3A_39 = tpu.memref_slice %arg10[%dma_wait3A, %dma_wait3A_38] : memref<10240x128xf32, #tpu.memory_space<vmem_shared>> -> memref<128x128xf32, #tpu.memory_space<vmem_shared>>
      %dma_wait3A_40 = arith.constant 0 : i32
      %dma_wait3A_41 = arith.constant 0 : i32
      %dma_wait3A_42 = tpu.memref_slice %arg10[%dma_wait3A_40, %dma_wait3A_41] : memref<10240x128xf32, #tpu.memory_space<vmem_shared>> -> memref<128x128xf32, #tpu.memory_space<vmem_shared>>
      tpu.wait_dma2 semaphore(%run_scoped3A : memref<!tpu.dma_semaphore, #tpu.memory_space<semaphore_mem>>) src(%arg8 : memref<128x128xf32, #tpu.memory_space<vmem>>) dst(%dma_wait3A_42 : memref<128x128xf32, #tpu.memory_space<vmem_shared>>)
      tpu.yield
    }) : () -> ()
    "tpu.region"() ({
      %run_scoped3A = tpu.sem_alloc : memref<!tpu.dma_semaphore, #tpu.memory_space<semaphore_mem>>
      %dma_start3A = arith.constant 128 : i32
      %dma_start3A_33 = arith.constant 0 : i32
      %dma_start3A_34 = tpu.memref_slice %arg10[%dma_start3A, %dma_start3A_33] : memref<10240x128xf32, #tpu.memory_space<vmem_shared>> -> memref<128x128xf32, #tpu.memory_space<vmem_shared>>
      %dma_start3A_35 = arith.constant 128 : i32
      %dma_start3A_36 = arith.constant 0 : i32
      %dma_start3A_37 = tpu.memref_slice %arg10[%dma_start3A_35, %dma_start3A_36] : memref<10240x128xf32, #tpu.memory_space<vmem_shared>> -> memref<128x128xf32, #tpu.memory_space<vmem_shared>>
      tpu.enqueue_dma source(%arg8 : memref<128x128xf32, #tpu.memory_space<vmem>>) target(%dma_start3A_37 : memref<128x128xf32, #tpu.memory_space<vmem_shared>>) target_semaphore(%run_scoped3A : memref<!tpu.dma_semaphore, #tpu.memory_space<semaphore_mem>>)
      %dma_wait3A = arith.constant 128 : i32
      %dma_wait3A_38 = arith.constant 0 : i32
      %dma_wait3A_39 = tpu.memref_slice %arg10[%dma_wait3A, %dma_wait3A_38] : memref<10240x128xf32, #tpu.memory_space<vmem_shared>> -> memref<128x128xf32, #tpu.memory_space<vmem_shared>>
      %dma_wait3A_40 = arith.constant 128 : i32
      %dma_wait3A_41 = arith.constant 0 : i32
      %dma_wait3A_42 = tpu.memref_slice %arg10[%dma_wait3A_40, %dma_wait3A_41] : memref<10240x128xf32, #tpu.memory_space<vmem_shared>> -> memref<128x128xf32, #tpu.memory_space<vmem_shared>>
      tpu.wait_dma2 semaphore(%run_scoped3A : memref<!tpu.dma_semaphore, #tpu.memory_space<semaphore_mem>>) src(%arg8 : memref<128x128xf32, #tpu.memory_space<vmem>>) dst(%dma_wait3A_42 : memref<128x128xf32, #tpu.memory_space<vmem_shared>>)
      tpu.yield
    }) : () -> ()
    "tpu.region"() ({
      %run_scoped3A = tpu.sem_alloc : memref<!tpu.dma_semaphore, #tpu.memory_space<semaphore_mem>>
      %dma_start3A = arith.constant 256 : i32
      %dma_start3A_33 = arith.constant 0 : i32
      %dma_start3A_34 = tpu.memref_slice %arg10[%dma_start3A, %dma_start3A_33] : memref<10240x128xf32, #tpu.memory_space<vmem_shared>> -> memref<128x128xf32, #tpu.memory_space<vmem_shared>>
      %dma_start3A_35 = arith.constant 256 : i32
      %dma_start3A_36 = arith.constant 0 : i32
      %dma_start3A_37 = tpu.memref_slice %arg10[%dma_start3A_35, %dma_start3A_36] : memref<10240x128xf32, #tpu.memory_space<vmem_shared>> -> memref<128x128xf32, #tpu.memory_space<vmem_shared>>
      tpu.enqueue_dma source(%arg8 : memref<128x128xf32, #tpu.memory_space<vmem>>) target(%dma_start3A_37 : memref<128x128xf32, #tpu.memory_space<vmem_shared>>) target_semaphore(%run_scoped3A : memref<!tpu.dma_semaphore, #tpu.memory_space<semaphore_mem>>)
      %dma_wait3A = arith.constant 256 : i32
      %dma_wait3A_38 = arith.constant 0 : i32
      %dma_wait3A_39 = tpu.memref_slice %arg10[%dma_wait3A, %dma_wait3A_38] : memref<10240x128xf32, #tpu.memory_space<vmem_shared>> -> memref<128x128xf32, #tpu.memory_space<vmem_shared>>
      %dma_wait3A_40 = arith.constant 256 : i32
      %dma_wait3A_41 = arith.constant 0 : i32
      %dma_wait3A_42 = tpu.memref_slice %arg10[%dma_wait3A_40, %dma_wait3A_41] : memref<10240x128xf32, #tpu.memory_space<vmem_shared>> -> memref<128x128xf32, #tpu.memory_space<vmem_shared>>
      tpu.wait_dma2 semaphore(%run_scoped3A : memref<!tpu.dma_semaphore, #tpu.memory_space<semaphore_mem>>) src(%arg8 : memref<128x128xf32, #tpu.memory_space<vmem>>) dst(%dma_wait3A_42 : memref<128x128xf32, #tpu.memory_space<vmem_shared>>)
      tpu.yield
    }) : () -> ()
    "tpu.region"() ({
      %run_scoped3A = tpu.sem_alloc : memref<!tpu.dma_semaphore, #tpu.memory_space<semaphore_mem>>
      %dma_start3A = arith.constant 384 : i32
      %dma_start3A_33 = arith.constant 0 : i32
      %dma_start3A_34 = tpu.memref_slice %arg10[%dma_start3A, %dma_start3A_33] : memref<10240x128xf32, #tpu.memory_space<vmem_shared>> -> memref<128x128xf32, #tpu.memory_space<vmem_shared>>
      %dma_start3A_35 = arith.constant 384 : i32
      %dma_start3A_36 = arith.constant 0 : i32
      %dma_start3A_37 = tpu.memref_slice %arg10[%dma_start3A_35, %dma_start3A_36] : memref<10240x128xf32, #tpu.memory_space<vmem_shared>> -> memref<128x128xf32, #tpu.memory_space<vmem_shared>>
      tpu.enqueue_dma source(%arg8 : memref<128x128xf32, #tpu.memory_space<vmem>>) target(%dma_start3A_37 : memref<128x128xf32, #tpu.memory_space<vmem_shared>>) target_semaphore(%run_scoped3A : memref<!tpu.dma_semaphore, #tpu.memory_space<semaphore_mem>>)
      %dma_wait3A = arith.constant 384 : i32
      %dma_wait3A_38 = arith.constant 0 : i32
      %dma_wait3A_39 = tpu.memref_slice %arg10[%dma_wait3A, %dma_wait3A_38] : memref<10240x128xf32, #tpu.memory_space<vmem_shared>> -> memref<128x128xf32, #tpu.memory_space<vmem_shared>>
      %dma_wait3A_40 = arith.constant 384 : i32
      %dma_wait3A_41 = arith.constant 0 : i32
      %dma_wait3A_42 = tpu.memref_slice %arg10[%dma_wait3A_40, %dma_wait3A_41] : memref<10240x128xf32, #tpu.memory_space<vmem_shared>> -> memref<128x128xf32, #tpu.memory_space<vmem_shared>>
      tpu.wait_dma2 semaphore(%run_scoped3A : memref<!tpu.dma_semaphore, #tpu.memory_space<semaphore_mem>>) src(%arg8 : memref<128x128xf32, #tpu.memory_space<vmem>>) dst(%dma_wait3A_42 : memref<128x128xf32, #tpu.memory_space<vmem_shared>>)
      tpu.yield
    }) : () -> ()
    "tpu.region"() ({
      %run_scoped3A = tpu.sem_alloc : memref<!tpu.dma_semaphore, #tpu.memory_space<semaphore_mem>>
      %dma_start3A = arith.constant 512 : i32
      %dma_start3A_33 = arith.constant 0 : i32
      %dma_start3A_34 = tpu.memref_slice %arg10[%dma_start3A, %dma_start3A_33] : memref<10240x128xf32, #tpu.memory_space<vmem_shared>> -> memref<128x128xf32, #tpu.memory_space<vmem_shared>>
      %dma_start3A_35 = arith.constant 512 : i32
      %dma_start3A_36 = arith.constant 0 : i32
      %dma_start3A_37 = tpu.memref_slice %arg10[%dma_start3A_35, %dma_start3A_36] : memref<10240x128xf32, #tpu.memory_space<vmem_shared>> -> memref<128x128xf32, #tpu.memory_space<vmem_shared>>
      tpu.enqueue_dma source(%arg8 : memref<128x128xf32, #tpu.memory_space<vmem>>) target(%dma_start3A_37 : memref<128x128xf32, #tpu.memory_space<vmem_shared>>) target_semaphore(%run_scoped3A : memref<!tpu.dma_semaphore, #tpu.memory_space<semaphore_mem>>)
      %dma_wait3A = arith.constant 512 : i32
      %dma_wait3A_38 = arith.constant 0 : i32
      %dma_wait3A_39 = tpu.memref_slice %arg10[%dma_wait3A, %dma_wait3A_38] : memref<10240x128xf32, #tpu.memory_space<vmem_shared>> -> memref<128x128xf32, #tpu.memory_space<vmem_shared>>
      %dma_wait3A_40 = arith.constant 512 : i32
      %dma_wait3A_41 = arith.constant 0 : i32
      %dma_wait3A_42 = tpu.memref_slice %arg10[%dma_wait3A_40, %dma_wait3A_41] : memref<10240x128xf32, #tpu.memory_space<vmem_shared>> -> memref<128x128xf32, #tpu.memory_space<vmem_shared>>
      tpu.wait_dma2 semaphore(%run_scoped3A : memref<!tpu.dma_semaphore, #tpu.memory_space<semaphore_mem>>) src(%arg8 : memref<128x128xf32, #tpu.memory_space<vmem>>) dst(%dma_wait3A_42 : memref<128x128xf32, #tpu.memory_space<vmem_shared>>)
      tpu.yield
    }) : () -> ()
    "tpu.region"() ({
      %run_scoped3A = tpu.sem_alloc : memref<!tpu.dma_semaphore, #tpu.memory_space<semaphore_mem>>
      %dma_start3A = arith.constant 0 : i32
      %dma_start3A_33 = arith.constant 0 : i32
      %dma_start3A_34 = tpu.memref_slice %arg3[%add3A, %dma_start3A, %dma_start3A_33] : memref<32x79x128xi32, #tpu.memory_space<hbm>> -> memref<1x79x128xi32, #tpu.memory_space<hbm>>
      %dma_start3A_35 = tpu.memref_squeeze %dma_start3A_34 : memref<1x79x128xi32, #tpu.memory_space<hbm>> -> memref<79x128xi32, #tpu.memory_space<hbm>>
      %dma_start3A_36 = arith.constant 0 : i32
      %dma_start3A_37 = arith.constant 0 : i32
      %dma_start3A_38 = tpu.memref_slice %arg3[%add3A, %dma_start3A_36, %dma_start3A_37] : memref<32x79x128xi32, #tpu.memory_space<hbm>> -> memref<1x79x128xi32, #tpu.memory_space<hbm>>
      %dma_start3A_39 = tpu.memref_squeeze %dma_start3A_38 : memref<1x79x128xi32, #tpu.memory_space<hbm>> -> memref<79x128xi32, #tpu.memory_space<hbm>>
      tpu.enqueue_dma source(%dma_start3A_39 : memref<79x128xi32, #tpu.memory_space<hbm>>) target(%arg6 : memref<79x128xi32, #tpu.memory_space<vmem>>) target_semaphore(%run_scoped3A : memref<!tpu.dma_semaphore, #tpu.memory_space<semaphore_mem>>)
      %dma_wait3A = arith.constant 0 : i32
      %dma_wait3A_40 = arith.constant 0 : i32
      %dma_wait3A_41 = tpu.memref_slice %arg3[%add3A, %dma_wait3A, %dma_wait3A_40] : memref<32x79x128xi32, #tpu.memory_space<hbm>> -> memref<1x79x128xi32, #tpu.memory_space<hbm>>
      %dma_wait3A_42 = tpu.memref_squeeze %dma_wait3A_41 : memref<1x79x128xi32, #tpu.memory_space<hbm>> -> memref<79x128xi32, #tpu.memory_space<hbm>>
      %dma_wait3A_43 = arith.constant 0 : i32
      %dma_wait3A_44 = arith.constant 0 : i32
      %dma_wait3A_45 = tpu.memref_slice %arg3[%add3A, %dma_wait3A_43, %dma_wait3A_44] : memref<32x79x128xi32, #tpu.memory_space<hbm>> -> memref<1x79x128xi32, #tpu.memory_space<hbm>>
      %dma_wait3A_46 = tpu.memref_squeeze %dma_wait3A_45 : memref<1x79x128xi32, #tpu.memory_space<hbm>> -> memref<79x128xi32, #tpu.memory_space<hbm>>
      tpu.wait_dma2 semaphore(%run_scoped3A : memref<!tpu.dma_semaphore, #tpu.memory_space<semaphore_mem>>) src(%dma_wait3A_46 : memref<79x128xi32, #tpu.memory_space<hbm>>) dst(%arg6 : memref<79x128xi32, #tpu.memory_space<vmem>>)
      tpu.yield
    }) : () -> ()
    "tpu.region"() ({
      %run_scoped3A = tpu.sem_alloc : memref<!tpu.dma_semaphore, #tpu.memory_space<semaphore_mem>>
      %dma_start3A = arith.constant 0 : i32
      %dma_start3A_33 = arith.constant 0 : i32
      %dma_start3A_34 = tpu.memref_slice %arg4[%add3A, %dma_start3A, %dma_start3A_33] : memref<32x79x128xi32, #tpu.memory_space<hbm>> -> memref<1x79x128xi32, #tpu.memory_space<hbm>>
      %dma_start3A_35 = tpu.memref_squeeze %dma_start3A_34 : memref<1x79x128xi32, #tpu.memory_space<hbm>> -> memref<79x128xi32, #tpu.memory_space<hbm>>
      %dma_start3A_36 = arith.constant 0 : i32
      %dma_start3A_37 = arith.constant 0 : i32
      %dma_start3A_38 = tpu.memref_slice %arg4[%add3A, %dma_start3A_36, %dma_start3A_37] : memref<32x79x128xi32, #tpu.memory_space<hbm>> -> memref<1x79x128xi32, #tpu.memory_space<hbm>>
      %dma_start3A_39 = tpu.memref_squeeze %dma_start3A_38 : memref<1x79x128xi32, #tpu.memory_space<hbm>> -> memref<79x128xi32, #tpu.memory_space<hbm>>
      tpu.enqueue_dma source(%dma_start3A_39 : memref<79x128xi32, #tpu.memory_space<hbm>>) target(%arg7 : memref<79x128xi32, #tpu.memory_space<vmem>>) target_semaphore(%run_scoped3A : memref<!tpu.dma_semaphore, #tpu.memory_space<semaphore_mem>>)
      %dma_wait3A = arith.constant 0 : i32
      %dma_wait3A_40 = arith.constant 0 : i32
      %dma_wait3A_41 = tpu.memref_slice %arg4[%add3A, %dma_wait3A, %dma_wait3A_40] : memref<32x79x128xi32, #tpu.memory_space<hbm>> -> memref<1x79x128xi32, #tpu.memory_space<hbm>>
      %dma_wait3A_42 = tpu.memref_squeeze %dma_wait3A_41 : memref<1x79x128xi32, #tpu.memory_space<hbm>> -> memref<79x128xi32, #tpu.memory_space<hbm>>
      %dma_wait3A_43 = arith.constant 0 : i32
      %dma_wait3A_44 = arith.constant 0 : i32
      %dma_wait3A_45 = tpu.memref_slice %arg4[%add3A, %dma_wait3A_43, %dma_wait3A_44] : memref<32x79x128xi32, #tpu.memory_space<hbm>> -> memref<1x79x128xi32, #tpu.memory_space<hbm>>
      %dma_wait3A_46 = tpu.memref_squeeze %dma_wait3A_45 : memref<1x79x128xi32, #tpu.memory_space<hbm>> -> memref<79x128xi32, #tpu.memory_space<hbm>>
      tpu.wait_dma2 semaphore(%run_scoped3A : memref<!tpu.dma_semaphore, #tpu.memory_space<semaphore_mem>>) src(%dma_wait3A_46 : memref<79x128xi32, #tpu.memory_space<hbm>>) dst(%arg7 : memref<79x128xi32, #tpu.memory_space<vmem>>)
      tpu.yield
    }) : () -> ()
    %barrier3A = arith.constant 0 : index
    tpu.barrier barrier_id(%barrier3A)
    %scan3A_6 = arith.constant 0 : i32
    %scan3A_7 = arith.constant 0 : i32
    %scan3A_8 = arith.constant 79 : i32
    %scan3A_9 = arith.addi %scan3A_7, %scan3A_8 : i32
    %scan3A_10 = arith.constant 1 : i32
    scf.for %scan3A_33 = %scan3A_7 to %scan3A_9 step %scan3A_10  : i32 {
      %dma_start3A = arith.constant 0 : i32
      %dma_start3A_34 = tpu.memref_slice %arg6[%scan3A_33, %dma_start3A] : memref<79x128xi32, #tpu.memory_space<vmem>> -> memref<1x128xi32, #tpu.memory_space<vmem>>
      %dma_start3A_35 = tpu.memref_squeeze %dma_start3A_34 : memref<1x128xi32, #tpu.memory_space<vmem>> -> memref<128xi32, #tpu.memory_space<vmem>>
      %dma_start3A_36 = arith.constant 0 : i32
      %dma_start3A_37 = arith.constant 0 : i32
      %dma_start3A_38 = tpu.memref_slice %arg2[%dma_start3A_36, %dma_start3A_37] : memref<10000x128xf32, #tpu.memory_space<hbm>> -> memref<10000x128xf32, #tpu.memory_space<hbm>>
      tpu.enqueue_indirect_dma source(%dma_start3A_38 : memref<10000x128xf32, #tpu.memory_space<hbm>>) target(%arg8 : memref<128x128xf32, #tpu.memory_space<vmem>>) offsets(%dma_start3A_35 : memref<128xi32, #tpu.memory_space<vmem>>) semaphore(%arg9 : memref<!tpu.dma_semaphore, #tpu.memory_space<semaphore_mem>>)
      %dma_wait3A = arith.constant 0 : i32
      %dma_wait3A_39 = tpu.memref_slice %arg6[%scan3A_33, %dma_wait3A] : memref<79x128xi32, #tpu.memory_space<vmem>> -> memref<1x128xi32, #tpu.memory_space<vmem>>
      %dma_wait3A_40 = tpu.memref_squeeze %dma_wait3A_39 : memref<1x128xi32, #tpu.memory_space<vmem>> -> memref<128xi32, #tpu.memory_space<vmem>>
      %dma_wait3A_41 = arith.constant 0 : i32
      %dma_wait3A_42 = arith.constant 0 : i32
      %dma_wait3A_43 = tpu.memref_slice %arg2[%dma_wait3A_41, %dma_wait3A_42] : memref<10000x128xf32, #tpu.memory_space<hbm>> -> memref<10000x128xf32, #tpu.memory_space<hbm>>
      tpu.wait_indirect_dma semaphore(%arg9 : memref<!tpu.dma_semaphore, #tpu.memory_space<semaphore_mem>>) src(%dma_wait3A_43 : memref<10000x128xf32, #tpu.memory_space<hbm>>) dst(%arg8 : memref<128x128xf32, #tpu.memory_space<vmem>>)
      "tpu.region"() ({
        %run_scoped3A = tpu.sem_alloc : memref<!tpu.dma_semaphore, #tpu.memory_space<semaphore_mem>>
        %dma_start3A_44 = arith.constant 0 : i32
        %dma_start3A_45 = tpu.memref_slice %arg7[%scan3A_33, %dma_start3A_44] : memref<79x128xi32, #tpu.memory_space<vmem>> -> memref<1x128xi32, #tpu.memory_space<vmem>>
        %dma_start3A_46 = tpu.memref_squeeze %dma_start3A_45 : memref<1x128xi32, #tpu.memory_space<vmem>> -> memref<128xi32, #tpu.memory_space<vmem>>
        %dma_start3A_47 = arith.constant 0 : i32
        %dma_start3A_48 = arith.constant 0 : i32
        %dma_start3A_49 = tpu.memref_slice %arg10[%dma_start3A_47, %dma_start3A_48] : memref<10240x128xf32, #tpu.memory_space<vmem_shared>> -> memref<10240x128xf32, #tpu.memory_space<vmem_shared>>
        tpu.enqueue_indirect_dma source(%arg8 : memref<128x128xf32, #tpu.memory_space<vmem>>) target(%dma_start3A_49 : memref<10240x128xf32, #tpu.memory_space<vmem_shared>>) offsets(%dma_start3A_46 : memref<128xi32, #tpu.memory_space<vmem>>) semaphore(%run_scoped3A : memref<!tpu.dma_semaphore, #tpu.memory_space<semaphore_mem>>) {add = true}
        %dma_wait3A_50 = arith.constant 0 : i32
        %dma_wait3A_51 = tpu.memref_slice %arg7[%scan3A_33, %dma_wait3A_50] : memref<79x128xi32, #tpu.memory_space<vmem>> -> memref<1x128xi32, #tpu.memory_space<vmem>>
        %dma_wait3A_52 = tpu.memref_squeeze %dma_wait3A_51 : memref<1x128xi32, #tpu.memory_space<vmem>> -> memref<128xi32, #tpu.memory_space<vmem>>
        %dma_wait3A_53 = arith.constant 0 : i32
        %dma_wait3A_54 = arith.constant 0 : i32
        %dma_wait3A_55 = tpu.memref_slice %arg10[%dma_wait3A_53, %dma_wait3A_54] : memref<10240x128xf32, #tpu.memory_space<vmem_shared>> -> memref<10240x128xf32, #tpu.memory_space<vmem_shared>>
        tpu.wait_indirect_dma semaphore(%run_scoped3A : memref<!tpu.dma_semaphore, #tpu.memory_space<semaphore_mem>>) src(%arg8 : memref<128x128xf32, #tpu.memory_space<vmem>>) dst(%dma_wait3A_55 : memref<10240x128xf32, #tpu.memory_space<vmem_shared>>)
        tpu.yield
      }) : () -> ()
    }
    %scan3A_11 = arith.constant 79 : i32
    %barrier3A_12 = arith.constant 0 : index
    tpu.barrier barrier_id(%barrier3A_12)
    "tpu.region"() ({
      %run_scoped3A = tpu.sem_alloc : memref<!tpu.dma_semaphore, #tpu.memory_space<semaphore_mem>>
      %dma_start3A = arith.constant 0 : i32
      %dma_start3A_33 = arith.constant 0 : i32
      %dma_start3A_34 = tpu.memref_slice %arg10[%dma_start3A, %dma_start3A_33] : memref<10240x128xf32, #tpu.memory_space<vmem_shared>> -> memref<128x128xf32, #tpu.memory_space<vmem_shared>>
      %dma_start3A_35 = arith.constant 0 : i32
      %dma_start3A_36 = arith.constant 0 : i32
      %dma_start3A_37 = tpu.memref_slice %arg10[%dma_start3A_35, %dma_start3A_36] : memref<10240x128xf32, #tpu.memory_space<vmem_shared>> -> memref<128x128xf32, #tpu.memory_space<vmem_shared>>
      tpu.enqueue_dma source(%dma_start3A_37 : memref<128x128xf32, #tpu.memory_space<vmem_shared>>) target(%arg8 : memref<128x128xf32, #tpu.memory_space<vmem>>) target_semaphore(%run_scoped3A : memref<!tpu.dma_semaphore, #tpu.memory_space<semaphore_mem>>)
      %dma_wait3A = arith.constant 0 : i32
      %dma_wait3A_38 = arith.constant 0 : i32
      %dma_wait3A_39 = tpu.memref_slice %arg10[%dma_wait3A, %dma_wait3A_38] : memref<10240x128xf32, #tpu.memory_space<vmem_shared>> -> memref<128x128xf32, #tpu.memory_space<vmem_shared>>
      %dma_wait3A_40 = arith.constant 0 : i32
      %dma_wait3A_41 = arith.constant 0 : i32
      %dma_wait3A_42 = tpu.memref_slice %arg10[%dma_wait3A_40, %dma_wait3A_41] : memref<10240x128xf32, #tpu.memory_space<vmem_shared>> -> memref<128x128xf32, #tpu.memory_space<vmem_shared>>
      tpu.wait_dma2 semaphore(%run_scoped3A : memref<!tpu.dma_semaphore, #tpu.memory_space<semaphore_mem>>) src(%dma_wait3A_42 : memref<128x128xf32, #tpu.memory_space<vmem_shared>>) dst(%arg8 : memref<128x128xf32, #tpu.memory_space<vmem>>)
      tpu.yield
    }) : () -> ()
    %mul3A_13 = arith.constant 640 : i32
    %mul3A_14 = arith.muli %arg1, %mul3A_13 : i32
    %add3A_15 = arith.constant 0 : i32
    %add3A_16 = arith.addi %mul3A_14, %add3A_15 : i32
    "tpu.region"() ({
      %run_scoped3A = tpu.sem_alloc : memref<!tpu.dma_semaphore, #tpu.memory_space<semaphore_mem>>
      %dma_start3A = arith.constant 0 : i32
      %dma_start3A_33 = tpu.memref_slice %arg5[%arg0, %add3A_16, %dma_start3A] : memref<2x10240x128xf32, #tpu.memory_space<hbm>> -> memref<1x128x128xf32, #tpu.memory_space<hbm>>
      %dma_start3A_34 = tpu.memref_squeeze %dma_start3A_33 : memref<1x128x128xf32, #tpu.memory_space<hbm>> -> memref<128x128xf32, #tpu.memory_space<hbm>>
      %dma_start3A_35 = arith.constant 0 : i32
      %dma_start3A_36 = tpu.memref_slice %arg5[%arg0, %add3A_16, %dma_start3A_35] : memref<2x10240x128xf32, #tpu.memory_space<hbm>> -> memref<1x128x128xf32, #tpu.memory_space<hbm>>
      %dma_start3A_37 = tpu.memref_squeeze %dma_start3A_36 : memref<1x128x128xf32, #tpu.memory_space<hbm>> -> memref<128x128xf32, #tpu.memory_space<hbm>>
      tpu.enqueue_dma source(%arg8 : memref<128x128xf32, #tpu.memory_space<vmem>>) target(%dma_start3A_37 : memref<128x128xf32, #tpu.memory_space<hbm>>) target_semaphore(%run_scoped3A : memref<!tpu.dma_semaphore, #tpu.memory_space<semaphore_mem>>)
      %dma_wait3A = arith.constant 0 : i32
      %dma_wait3A_38 = tpu.memref_slice %arg5[%arg0, %add3A_16, %dma_wait3A] : memref<2x10240x128xf32, #tpu.memory_space<hbm>> -> memref<1x128x128xf32, #tpu.memory_space<hbm>>
      %dma_wait3A_39 = tpu.memref_squeeze %dma_wait3A_38 : memref<1x128x128xf32, #tpu.memory_space<hbm>> -> memref<128x128xf32, #tpu.memory_space<hbm>>
      %dma_wait3A_40 = arith.constant 0 : i32
      %dma_wait3A_41 = tpu.memref_slice %arg5[%arg0, %add3A_16, %dma_wait3A_40] : memref<2x10240x128xf32, #tpu.memory_space<hbm>> -> memref<1x128x128xf32, #tpu.memory_space<hbm>>
      %dma_wait3A_42 = tpu.memref_squeeze %dma_wait3A_41 : memref<1x128x128xf32, #tpu.memory_space<hbm>> -> memref<128x128xf32, #tpu.memory_space<hbm>>
      tpu.wait_dma2 semaphore(%run_scoped3A : memref<!tpu.dma_semaphore, #tpu.memory_space<semaphore_mem>>) src(%arg8 : memref<128x128xf32, #tpu.memory_space<vmem>>) dst(%dma_wait3A_42 : memref<128x128xf32, #tpu.memory_space<hbm>>)
      tpu.yield
    }) : () -> ()
    "tpu.region"() ({
      %run_scoped3A = tpu.sem_alloc : memref<!tpu.dma_semaphore, #tpu.memory_space<semaphore_mem>>
      %dma_start3A = arith.constant 128 : i32
      %dma_start3A_33 = arith.constant 0 : i32
      %dma_start3A_34 = tpu.memref_slice %arg10[%dma_start3A, %dma_start3A_33] : memref<10240x128xf32, #tpu.memory_space<vmem_shared>> -> memref<128x128xf32, #tpu.memory_space<vmem_shared>>
      %dma_start3A_35 = arith.constant 128 : i32
      %dma_start3A_36 = arith.constant 0 : i32
      %dma_start3A_37 = tpu.memref_slice %arg10[%dma_start3A_35, %dma_start3A_36] : memref<10240x128xf32, #tpu.memory_space<vmem_shared>> -> memref<128x128xf32, #tpu.memory_space<vmem_shared>>
      tpu.enqueue_dma source(%dma_start3A_37 : memref<128x128xf32, #tpu.memory_space<vmem_shared>>) target(%arg8 : memref<128x128xf32, #tpu.memory_space<vmem>>) target_semaphore(%run_scoped3A : memref<!tpu.dma_semaphore, #tpu.memory_space<semaphore_mem>>)
      %dma_wait3A = arith.constant 128 : i32
      %dma_wait3A_38 = arith.constant 0 : i32
      %dma_wait3A_39 = tpu.memref_slice %arg10[%dma_wait3A, %dma_wait3A_38] : memref<10240x128xf32, #tpu.memory_space<vmem_shared>> -> memref<128x128xf32, #tpu.memory_space<vmem_shared>>
      %dma_wait3A_40 = arith.constant 128 : i32
      %dma_wait3A_41 = arith.constant 0 : i32
      %dma_wait3A_42 = tpu.memref_slice %arg10[%dma_wait3A_40, %dma_wait3A_41] : memref<10240x128xf32, #tpu.memory_space<vmem_shared>> -> memref<128x128xf32, #tpu.memory_space<vmem_shared>>
      tpu.wait_dma2 semaphore(%run_scoped3A : memref<!tpu.dma_semaphore, #tpu.memory_space<semaphore_mem>>) src(%dma_wait3A_42 : memref<128x128xf32, #tpu.memory_space<vmem_shared>>) dst(%arg8 : memref<128x128xf32, #tpu.memory_space<vmem>>)
      tpu.yield
    }) : () -> ()
    %mul3A_17 = arith.constant 640 : i32
    %mul3A_18 = arith.muli %arg1, %mul3A_17 : i32
    %add3A_19 = arith.constant 128 : i32
    %add3A_20 = arith.addi %mul3A_18, %add3A_19 : i32
    "tpu.region"() ({
      %run_scoped3A = tpu.sem_alloc : memref<!tpu.dma_semaphore, #tpu.memory_space<semaphore_mem>>
      %dma_start3A = arith.constant 0 : i32
      %dma_start3A_33 = tpu.memref_slice %arg5[%arg0, %add3A_20, %dma_start3A] : memref<2x10240x128xf32, #tpu.memory_space<hbm>> -> memref<1x128x128xf32, #tpu.memory_space<hbm>>
      %dma_start3A_34 = tpu.memref_squeeze %dma_start3A_33 : memref<1x128x128xf32, #tpu.memory_space<hbm>> -> memref<128x128xf32, #tpu.memory_space<hbm>>
      %dma_start3A_35 = arith.constant 0 : i32
      %dma_start3A_36 = tpu.memref_slice %arg5[%arg0, %add3A_20, %dma_start3A_35] : memref<2x10240x128xf32, #tpu.memory_space<hbm>> -> memref<1x128x128xf32, #tpu.memory_space<hbm>>
      %dma_start3A_37 = tpu.memref_squeeze %dma_start3A_36 : memref<1x128x128xf32, #tpu.memory_space<hbm>> -> memref<128x128xf32, #tpu.memory_space<hbm>>
      tpu.enqueue_dma source(%arg8 : memref<128x128xf32, #tpu.memory_space<vmem>>) target(%dma_start3A_37 : memref<128x128xf32, #tpu.memory_space<hbm>>) target_semaphore(%run_scoped3A : memref<!tpu.dma_semaphore, #tpu.memory_space<semaphore_mem>>)
      %dma_wait3A = arith.constant 0 : i32
      %dma_wait3A_38 = tpu.memref_slice %arg5[%arg0, %add3A_20, %dma_wait3A] : memref<2x10240x128xf32, #tpu.memory_space<hbm>> -> memref<1x128x128xf32, #tpu.memory_space<hbm>>
      %dma_wait3A_39 = tpu.memref_squeeze %dma_wait3A_38 : memref<1x128x128xf32, #tpu.memory_space<hbm>> -> memref<128x128xf32, #tpu.memory_space<hbm>>
      %dma_wait3A_40 = arith.constant 0 : i32
      %dma_wait3A_41 = tpu.memref_slice %arg5[%arg0, %add3A_20, %dma_wait3A_40] : memref<2x10240x128xf32, #tpu.memory_space<hbm>> -> memref<1x128x128xf32, #tpu.memory_space<hbm>>
      %dma_wait3A_42 = tpu.memref_squeeze %dma_wait3A_41 : memref<1x128x128xf32, #tpu.memory_space<hbm>> -> memref<128x128xf32, #tpu.memory_space<hbm>>
      tpu.wait_dma2 semaphore(%run_scoped3A : memref<!tpu.dma_semaphore, #tpu.memory_space<semaphore_mem>>) src(%arg8 : memref<128x128xf32, #tpu.memory_space<vmem>>) dst(%dma_wait3A_42 : memref<128x128xf32, #tpu.memory_space<hbm>>)
      tpu.yield
    }) : () -> ()
    "tpu.region"() ({
      %run_scoped3A = tpu.sem_alloc : memref<!tpu.dma_semaphore, #tpu.memory_space<semaphore_mem>>
      %dma_start3A = arith.constant 256 : i32
      %dma_start3A_33 = arith.constant 0 : i32
      %dma_start3A_34 = tpu.memref_slice %arg10[%dma_start3A, %dma_start3A_33] : memref<10240x128xf32, #tpu.memory_space<vmem_shared>> -> memref<128x128xf32, #tpu.memory_space<vmem_shared>>
      %dma_start3A_35 = arith.constant 256 : i32
      %dma_start3A_36 = arith.constant 0 : i32
      %dma_start3A_37 = tpu.memref_slice %arg10[%dma_start3A_35, %dma_start3A_36] : memref<10240x128xf32, #tpu.memory_space<vmem_shared>> -> memref<128x128xf32, #tpu.memory_space<vmem_shared>>
      tpu.enqueue_dma source(%dma_start3A_37 : memref<128x128xf32, #tpu.memory_space<vmem_shared>>) target(%arg8 : memref<128x128xf32, #tpu.memory_space<vmem>>) target_semaphore(%run_scoped3A : memref<!tpu.dma_semaphore, #tpu.memory_space<semaphore_mem>>)
      %dma_wait3A = arith.constant 256 : i32
      %dma_wait3A_38 = arith.constant 0 : i32
      %dma_wait3A_39 = tpu.memref_slice %arg10[%dma_wait3A, %dma_wait3A_38] : memref<10240x128xf32, #tpu.memory_space<vmem_shared>> -> memref<128x128xf32, #tpu.memory_space<vmem_shared>>
      %dma_wait3A_40 = arith.constant 256 : i32
      %dma_wait3A_41 = arith.constant 0 : i32
      %dma_wait3A_42 = tpu.memref_slice %arg10[%dma_wait3A_40, %dma_wait3A_41] : memref<10240x128xf32, #tpu.memory_space<vmem_shared>> -> memref<128x128xf32, #tpu.memory_space<vmem_shared>>
      tpu.wait_dma2 semaphore(%run_scoped3A : memref<!tpu.dma_semaphore, #tpu.memory_space<semaphore_mem>>) src(%dma_wait3A_42 : memref<128x128xf32, #tpu.memory_space<vmem_shared>>) dst(%arg8 : memref<128x128xf32, #tpu.memory_space<vmem>>)
      tpu.yield
    }) : () -> ()
    %mul3A_21 = arith.constant 640 : i32
    %mul3A_22 = arith.muli %arg1, %mul3A_21 : i32
    %add3A_23 = arith.constant 256 : i32
    %add3A_24 = arith.addi %mul3A_22, %add3A_23 : i32
    "tpu.region"() ({
      %run_scoped3A = tpu.sem_alloc : memref<!tpu.dma_semaphore, #tpu.memory_space<semaphore_mem>>
      %dma_start3A = arith.constant 0 : i32
      %dma_start3A_33 = tpu.memref_slice %arg5[%arg0, %add3A_24, %dma_start3A] : memref<2x10240x128xf32, #tpu.memory_space<hbm>> -> memref<1x128x128xf32, #tpu.memory_space<hbm>>
      %dma_start3A_34 = tpu.memref_squeeze %dma_start3A_33 : memref<1x128x128xf32, #tpu.memory_space<hbm>> -> memref<128x128xf32, #tpu.memory_space<hbm>>
      %dma_start3A_35 = arith.constant 0 : i32
      %dma_start3A_36 = tpu.memref_slice %arg5[%arg0, %add3A_24, %dma_start3A_35] : memref<2x10240x128xf32, #tpu.memory_space<hbm>> -> memref<1x128x128xf32, #tpu.memory_space<hbm>>
      %dma_start3A_37 = tpu.memref_squeeze %dma_start3A_36 : memref<1x128x128xf32, #tpu.memory_space<hbm>> -> memref<128x128xf32, #tpu.memory_space<hbm>>
      tpu.enqueue_dma source(%arg8 : memref<128x128xf32, #tpu.memory_space<vmem>>) target(%dma_start3A_37 : memref<128x128xf32, #tpu.memory_space<hbm>>) target_semaphore(%run_scoped3A : memref<!tpu.dma_semaphore, #tpu.memory_space<semaphore_mem>>)
      %dma_wait3A = arith.constant 0 : i32
      %dma_wait3A_38 = tpu.memref_slice %arg5[%arg0, %add3A_24, %dma_wait3A] : memref<2x10240x128xf32, #tpu.memory_space<hbm>> -> memref<1x128x128xf32, #tpu.memory_space<hbm>>
      %dma_wait3A_39 = tpu.memref_squeeze %dma_wait3A_38 : memref<1x128x128xf32, #tpu.memory_space<hbm>> -> memref<128x128xf32, #tpu.memory_space<hbm>>
      %dma_wait3A_40 = arith.constant 0 : i32
      %dma_wait3A_41 = tpu.memref_slice %arg5[%arg0, %add3A_24, %dma_wait3A_40] : memref<2x10240x128xf32, #tpu.memory_space<hbm>> -> memref<1x128x128xf32, #tpu.memory_space<hbm>>
      %dma_wait3A_42 = tpu.memref_squeeze %dma_wait3A_41 : memref<1x128x128xf32, #tpu.memory_space<hbm>> -> memref<128x128xf32, #tpu.memory_space<hbm>>
      tpu.wait_dma2 semaphore(%run_scoped3A : memref<!tpu.dma_semaphore, #tpu.memory_space<semaphore_mem>>) src(%arg8 : memref<128x128xf32, #tpu.memory_space<vmem>>) dst(%dma_wait3A_42 : memref<128x128xf32, #tpu.memory_space<hbm>>)
      tpu.yield
    }) : () -> ()
    "tpu.region"() ({
      %run_scoped3A = tpu.sem_alloc : memref<!tpu.dma_semaphore, #tpu.memory_space<semaphore_mem>>
      %dma_start3A = arith.constant 384 : i32
      %dma_start3A_33 = arith.constant 0 : i32
      %dma_start3A_34 = tpu.memref_slice %arg10[%dma_start3A, %dma_start3A_33] : memref<10240x128xf32, #tpu.memory_space<vmem_shared>> -> memref<128x128xf32, #tpu.memory_space<vmem_shared>>
      %dma_start3A_35 = arith.constant 384 : i32
      %dma_start3A_36 = arith.constant 0 : i32
      %dma_start3A_37 = tpu.memref_slice %arg10[%dma_start3A_35, %dma_start3A_36] : memref<10240x128xf32, #tpu.memory_space<vmem_shared>> -> memref<128x128xf32, #tpu.memory_space<vmem_shared>>
      tpu.enqueue_dma source(%dma_start3A_37 : memref<128x128xf32, #tpu.memory_space<vmem_shared>>) target(%arg8 : memref<128x128xf32, #tpu.memory_space<vmem>>) target_semaphore(%run_scoped3A : memref<!tpu.dma_semaphore, #tpu.memory_space<semaphore_mem>>)
      %dma_wait3A = arith.constant 384 : i32
      %dma_wait3A_38 = arith.constant 0 : i32
      %dma_wait3A_39 = tpu.memref_slice %arg10[%dma_wait3A, %dma_wait3A_38] : memref<10240x128xf32, #tpu.memory_space<vmem_shared>> -> memref<128x128xf32, #tpu.memory_space<vmem_shared>>
      %dma_wait3A_40 = arith.constant 384 : i32
      %dma_wait3A_41 = arith.constant 0 : i32
      %dma_wait3A_42 = tpu.memref_slice %arg10[%dma_wait3A_40, %dma_wait3A_41] : memref<10240x128xf32, #tpu.memory_space<vmem_shared>> -> memref<128x128xf32, #tpu.memory_space<vmem_shared>>
      tpu.wait_dma2 semaphore(%run_scoped3A : memref<!tpu.dma_semaphore, #tpu.memory_space<semaphore_mem>>) src(%dma_wait3A_42 : memref<128x128xf32, #tpu.memory_space<vmem_shared>>) dst(%arg8 : memref<128x128xf32, #tpu.memory_space<vmem>>)
      tpu.yield
    }) : () -> ()
    %mul3A_25 = arith.constant 640 : i32
    %mul3A_26 = arith.muli %arg1, %mul3A_25 : i32
    %add3A_27 = arith.constant 384 : i32
    %add3A_28 = arith.addi %mul3A_26, %add3A_27 : i32
    "tpu.region"() ({
      %run_scoped3A = tpu.sem_alloc : memref<!tpu.dma_semaphore, #tpu.memory_space<semaphore_mem>>
      %dma_start3A = arith.constant 0 : i32
      %dma_start3A_33 = tpu.memref_slice %arg5[%arg0, %add3A_28, %dma_start3A] : memref<2x10240x128xf32, #tpu.memory_space<hbm>> -> memref<1x128x128xf32, #tpu.memory_space<hbm>>
      %dma_start3A_34 = tpu.memref_squeeze %dma_start3A_33 : memref<1x128x128xf32, #tpu.memory_space<hbm>> -> memref<128x128xf32, #tpu.memory_space<hbm>>
      %dma_start3A_35 = arith.constant 0 : i32
      %dma_start3A_36 = tpu.memref_slice %arg5[%arg0, %add3A_28, %dma_start3A_35] : memref<2x10240x128xf32, #tpu.memory_space<hbm>> -> memref<1x128x128xf32, #tpu.memory_space<hbm>>
      %dma_start3A_37 = tpu.memref_squeeze %dma_start3A_36 : memref<1x128x128xf32, #tpu.memory_space<hbm>> -> memref<128x128xf32, #tpu.memory_space<hbm>>
      tpu.enqueue_dma source(%arg8 : memref<128x128xf32, #tpu.memory_space<vmem>>) target(%dma_start3A_37 : memref<128x128xf32, #tpu.memory_space<hbm>>) target_semaphore(%run_scoped3A : memref<!tpu.dma_semaphore, #tpu.memory_space<semaphore_mem>>)
      %dma_wait3A = arith.constant 0 : i32
      %dma_wait3A_38 = tpu.memref_slice %arg5[%arg0, %add3A_28, %dma_wait3A] : memref<2x10240x128xf32, #tpu.memory_space<hbm>> -> memref<1x128x128xf32, #tpu.memory_space<hbm>>
      %dma_wait3A_39 = tpu.memref_squeeze %dma_wait3A_38 : memref<1x128x128xf32, #tpu.memory_space<hbm>> -> memref<128x128xf32, #tpu.memory_space<hbm>>
      %dma_wait3A_40 = arith.constant 0 : i32
      %dma_wait3A_41 = tpu.memref_slice %arg5[%arg0, %add3A_28, %dma_wait3A_40] : memref<2x10240x128xf32, #tpu.memory_space<hbm>> -> memref<1x128x128xf32, #tpu.memory_space<hbm>>
      %dma_wait3A_42 = tpu.memref_squeeze %dma_wait3A_41 : memref<1x128x128xf32, #tpu.memory_space<hbm>> -> memref<128x128xf32, #tpu.memory_space<hbm>>
      tpu.wait_dma2 semaphore(%run_scoped3A : memref<!tpu.dma_semaphore, #tpu.memory_space<semaphore_mem>>) src(%arg8 : memref<128x128xf32, #tpu.memory_space<vmem>>) dst(%dma_wait3A_42 : memref<128x128xf32, #tpu.memory_space<hbm>>)
      tpu.yield
    }) : () -> ()
    "tpu.region"() ({
      %run_scoped3A = tpu.sem_alloc : memref<!tpu.dma_semaphore, #tpu.memory_space<semaphore_mem>>
      %dma_start3A = arith.constant 512 : i32
      %dma_start3A_33 = arith.constant 0 : i32
      %dma_start3A_34 = tpu.memref_slice %arg10[%dma_start3A, %dma_start3A_33] : memref<10240x128xf32, #tpu.memory_space<vmem_shared>> -> memref<128x128xf32, #tpu.memory_space<vmem_shared>>
      %dma_start3A_35 = arith.constant 512 : i32
      %dma_start3A_36 = arith.constant 0 : i32
      %dma_start3A_37 = tpu.memref_slice %arg10[%dma_start3A_35, %dma_start3A_36] : memref<10240x128xf32, #tpu.memory_space<vmem_shared>> -> memref<128x128xf32, #tpu.memory_space<vmem_shared>>
      tpu.enqueue_dma source(%dma_start3A_37 : memref<128x128xf32, #tpu.memory_space<vmem_shared>>) target(%arg8 : memref<128x128xf32, #tpu.memory_space<vmem>>) target_semaphore(%run_scoped3A : memref<!tpu.dma_semaphore, #tpu.memory_space<semaphore_mem>>)
      %dma_wait3A = arith.constant 512 : i32
      %dma_wait3A_38 = arith.constant 0 : i32
      %dma_wait3A_39 = tpu.memref_slice %arg10[%dma_wait3A, %dma_wait3A_38] : memref<10240x128xf32, #tpu.memory_space<vmem_shared>> -> memref<128x128xf32, #tpu.memory_space<vmem_shared>>
      %dma_wait3A_40 = arith.constant 512 : i32
      %dma_wait3A_41 = arith.constant 0 : i32
      %dma_wait3A_42 = tpu.memref_slice %arg10[%dma_wait3A_40, %dma_wait3A_41] : memref<10240x128xf32, #tpu.memory_space<vmem_shared>> -> memref<128x128xf32, #tpu.memory_space<vmem_shared>>
      tpu.wait_dma2 semaphore(%run_scoped3A : memref<!tpu.dma_semaphore, #tpu.memory_space<semaphore_mem>>) src(%dma_wait3A_42 : memref<128x128xf32, #tpu.memory_space<vmem_shared>>) dst(%arg8 : memref<128x128xf32, #tpu.memory_space<vmem>>)
      tpu.yield
    }) : () -> ()
    %mul3A_29 = arith.constant 640 : i32
    %mul3A_30 = arith.muli %arg1, %mul3A_29 : i32
    %add3A_31 = arith.constant 512 : i32
    %add3A_32 = arith.addi %mul3A_30, %add3A_31 : i32
    "tpu.region"() ({
      %run_scoped3A = tpu.sem_alloc : memref<!tpu.dma_semaphore, #tpu.memory_space<semaphore_mem>>
      %dma_start3A = arith.constant 0 : i32
      %dma_start3A_33 = tpu.memref_slice %arg5[%arg0, %add3A_32, %dma_start3A] : memref<2x10240x128xf32, #tpu.memory_space<hbm>> -> memref<1x128x128xf32, #tpu.memory_space<hbm>>
      %dma_start3A_34 = tpu.memref_squeeze %dma_start3A_33 : memref<1x128x128xf32, #tpu.memory_space<hbm>> -> memref<128x128xf32, #tpu.memory_space<hbm>>
      %dma_start3A_35 = arith.constant 0 : i32
      %dma_start3A_36 = tpu.memref_slice %arg5[%arg0, %add3A_32, %dma_start3A_35] : memref<2x10240x128xf32, #tpu.memory_space<hbm>> -> memref<1x128x128xf32, #tpu.memory_space<hbm>>
      %dma_start3A_37 = tpu.memref_squeeze %dma_start3A_36 : memref<1x128x128xf32, #tpu.memory_space<hbm>> -> memref<128x128xf32, #tpu.memory_space<hbm>>
      tpu.enqueue_dma source(%arg8 : memref<128x128xf32, #tpu.memory_space<vmem>>) target(%dma_start3A_37 : memref<128x128xf32, #tpu.memory_space<hbm>>) target_semaphore(%run_scoped3A : memref<!tpu.dma_semaphore, #tpu.memory_space<semaphore_mem>>)
      %dma_wait3A = arith.constant 0 : i32
      %dma_wait3A_38 = tpu.memref_slice %arg5[%arg0, %add3A_32, %dma_wait3A] : memref<2x10240x128xf32, #tpu.memory_space<hbm>> -> memref<1x128x128xf32, #tpu.memory_space<hbm>>
      %dma_wait3A_39 = tpu.memref_squeeze %dma_wait3A_38 : memref<1x128x128xf32, #tpu.memory_space<hbm>> -> memref<128x128xf32, #tpu.memory_space<hbm>>
      %dma_wait3A_40 = arith.constant 0 : i32
      %dma_wait3A_41 = tpu.memref_slice %arg5[%arg0, %add3A_32, %dma_wait3A_40] : memref<2x10240x128xf32, #tpu.memory_space<hbm>> -> memref<1x128x128xf32, #tpu.memory_space<hbm>>
      %dma_wait3A_42 = tpu.memref_squeeze %dma_wait3A_41 : memref<1x128x128xf32, #tpu.memory_space<hbm>> -> memref<128x128xf32, #tpu.memory_space<hbm>>
      tpu.wait_dma2 semaphore(%run_scoped3A : memref<!tpu.dma_semaphore, #tpu.memory_space<semaphore_mem>>) src(%arg8 : memref<128x128xf32, #tpu.memory_space<vmem>>) dst(%dma_wait3A_42 : memref<128x128xf32, #tpu.memory_space<hbm>>)
      tpu.yield
    }) : () -> ()
    return
  }
}

module attributes {stable_mosaic.version = 14 : i64} {
  func.func @_prescale_body(%arg0: i32, %arg1: memref<2x1000x16xf32, #tpu.memory_space<vmem>>, %arg2: memref<1000x128xf32, #tpu.memory_space<vmem>>, %arg3: memref<1000x128xf32, #tpu.memory_space<vmem>>) attributes {dimension_semantics = [#tpu.dimension_semantics<arbitrary>], iteration_bounds = array<i64: 10>, scalar_prefetch = 0 : i64, scratch_operands = 0 : i64, tpu.core_type = #tpu.core_type<tc>, window_params = [{transform_indices = @transform_0, window_bounds = array<i64: 2, 1000, 16>}, {transform_indices = @transform_1, window_bounds = array<i64: 1000, 128>}, {transform_indices = @transform_2, window_bounds = array<i64: 1000, 128>}]} {
    %get3A = arith.constant 0 : index
    %get3A_0 = arith.constant 0 : index
    %get3A_1 = arith.constant 0 : index
    %get3A_2 = vector.load %arg1[%get3A, %get3A_0, %get3A_1] : memref<2x1000x16xf32, #tpu.memory_space<vmem>>, vector<1x1000x1xf32>
    %get3A_3 = vector.shape_cast %get3A_2 : vector<1x1000x1xf32> to vector<1000x1xf32>
    %get3A_4 = arith.constant 1 : index
    %get3A_5 = arith.constant 0 : index
    %get3A_6 = arith.constant 0 : index
    %get3A_7 = vector.load %arg1[%get3A_4, %get3A_5, %get3A_6] : memref<2x1000x16xf32, #tpu.memory_space<vmem>>, vector<1x1000x1xf32>
    %get3A_8 = vector.shape_cast %get3A_7 : vector<1x1000x1xf32> to vector<1000x1xf32>
    %add3A = arith.addf %get3A_3, %get3A_8 : vector<1000x1xf32>
    %add3A_9 = arith.constant 1.000000e+00 : f32
    %add3A_10 = vector.broadcast %add3A_9 : f32 to vector<1000x1xf32>
    %add3A_11 = arith.addf %add3A, %add3A_10 : vector<1000x1xf32>
    %get3A_12 = arith.constant 0 : index
    %get3A_13 = arith.constant 0 : index
    %get3A_14 = vector.load %arg2[%get3A_12, %get3A_13] : memref<1000x128xf32, #tpu.memory_space<vmem>>, vector<1000x128xf32>
    %rsqrt3A = math.rsqrt %add3A_11 : vector<1000x1xf32>
    %mul3A = vector.broadcast %rsqrt3A : vector<1000x1xf32> to vector<1000x128xf32>
    %mul3A_15 = arith.mulf %get3A_14, %mul3A : vector<1000x128xf32>
    %swap3A = arith.constant 0 : index
    %swap3A_16 = arith.constant 0 : index
    %swap3A_17 = vector.load %arg3[%swap3A, %swap3A_16] : memref<1000x128xf32, #tpu.memory_space<vmem>>, vector<1000x128xf32>
    tpu.vector_store %arg3[%swap3A, %swap3A_16], %mul3A_15 {strides = array<i32>} : memref<1000x128xf32, #tpu.memory_space<vmem>>, vector<1000x128xf32>,
    return
  }
  func.func @transform_0(%arg0: i32) -> (i32, i32, i32) {
    %c0_i32 = arith.constant 0 : i32
    %c0_i32_0 = arith.constant 0 : i32
    %c0_i32_1 = arith.constant 0 : i32
    return %c0_i32, %arg0, %c0_i32_0 : i32, i32, i32
  }
  func.func @transform_1(%arg0: i32) -> (i32, i32) {
    %c0_i32 = arith.constant 0 : i32
    %c0_i32_0 = arith.constant 0 : i32
    return %arg0, %c0_i32 : i32, i32
  }
  func.func @transform_2(%arg0: i32) -> (i32, i32) {
    %c0_i32 = arith.constant 0 : i32
    %c0_i32_0 = arith.constant 0 : i32
    return %arg0, %c0_i32 : i32, i32
  }
}

module attributes {stable_mosaic.version = 14 : i64} {
  func.func @_finish_body(%arg0: i32, %arg1: memref<1000x128xf32, #tpu.memory_space<vmem>>, %arg2: memref<2x1000x128xf32, #tpu.memory_space<vmem>>, %arg3: memref<2x1000x16xf32, #tpu.memory_space<vmem>>, %arg4: memref<128x128xf32, #tpu.memory_space<vmem>>, %arg5: memref<1x128xf32, #tpu.memory_space<vmem>>, %arg6: memref<1000x128xf32, #tpu.memory_space<vmem>>) attributes {dimension_semantics = [#tpu.dimension_semantics<arbitrary>], iteration_bounds = array<i64: 10>, scalar_prefetch = 0 : i64, scratch_operands = 0 : i64, tpu.core_type = #tpu.core_type<tc>, window_params = [{transform_indices = @transform_0, window_bounds = array<i64: 1000, 128>}, {transform_indices = @transform_1, window_bounds = array<i64: 2, 1000, 128>}, {transform_indices = @transform_2, window_bounds = array<i64: 2, 1000, 16>}, {pipeline_mode = #tpu.pipeline_mode<synchronous>, transform_indices = @transform_3, window_bounds = array<i64: 128, 128>}, {pipeline_mode = #tpu.pipeline_mode<synchronous>, transform_indices = @transform_4, window_bounds = array<i64: 1, 128>}, {transform_indices = @transform_5, window_bounds = array<i64: 1000, 128>}]} {
    %get3A = arith.constant 0 : index
    %get3A_0 = arith.constant 0 : index
    %get3A_1 = arith.constant 0 : index
    %get3A_2 = vector.load %arg3[%get3A, %get3A_0, %get3A_1] : memref<2x1000x16xf32, #tpu.memory_space<vmem>>, vector<1x1000x1xf32>
    %get3A_3 = vector.shape_cast %get3A_2 : vector<1x1000x1xf32> to vector<1000x1xf32>
    %get3A_4 = arith.constant 1 : index
    %get3A_5 = arith.constant 0 : index
    %get3A_6 = arith.constant 0 : index
    %get3A_7 = vector.load %arg3[%get3A_4, %get3A_5, %get3A_6] : memref<2x1000x16xf32, #tpu.memory_space<vmem>>, vector<1x1000x1xf32>
    %get3A_8 = vector.shape_cast %get3A_7 : vector<1x1000x1xf32> to vector<1000x1xf32>
    %add3A = arith.addf %get3A_3, %get3A_8 : vector<1000x1xf32>
    %add3A_9 = arith.constant 1.000000e+00 : f32
    %add3A_10 = vector.broadcast %add3A_9 : f32 to vector<1000x1xf32>
    %add3A_11 = arith.addf %add3A, %add3A_10 : vector<1000x1xf32>
    %get3A_12 = arith.constant 0 : index
    %get3A_13 = arith.constant 0 : index
    %get3A_14 = vector.load %arg1[%get3A_12, %get3A_13] : memref<1000x128xf32, #tpu.memory_space<vmem>>, vector<1000x128xf32>
    %get3A_15 = arith.constant 0 : index
    %get3A_16 = arith.constant 0 : index
    %get3A_17 = arith.constant 0 : index
    %get3A_18 = vector.load %arg2[%get3A_15, %get3A_16, %get3A_17] : memref<2x1000x128xf32, #tpu.memory_space<vmem>>, vector<1x1000x128xf32>
    %get3A_19 = vector.shape_cast %get3A_18 : vector<1x1000x128xf32> to vector<1000x128xf32>
    %add3A_20 = arith.addf %get3A_14, %get3A_19 : vector<1000x128xf32>
    %get3A_21 = arith.constant 1 : index
    %get3A_22 = arith.constant 0 : index
    %get3A_23 = arith.constant 0 : index
    %get3A_24 = vector.load %arg2[%get3A_21, %get3A_22, %get3A_23] : memref<2x1000x128xf32, #tpu.memory_space<vmem>>, vector<1x1000x128xf32>
    %get3A_25 = vector.shape_cast %get3A_24 : vector<1x1000x128xf32> to vector<1000x128xf32>
    %add3A_26 = arith.addf %add3A_20, %get3A_25 : vector<1000x128xf32>
    %rsqrt3A = math.rsqrt %add3A_11 : vector<1000x1xf32>
    %mul3A = vector.broadcast %rsqrt3A : vector<1000x1xf32> to vector<1000x128xf32>
    %mul3A_27 = arith.mulf %add3A_26, %mul3A : vector<1000x128xf32>
    %get3A_28 = arith.constant 0 : index
    %get3A_29 = arith.constant 0 : index
    %get3A_30 = vector.load %arg4[%get3A_28, %get3A_29] : memref<128x128xf32, #tpu.memory_space<vmem>>, vector<128x128xf32>
    %dot_general3A = arith.constant dense<0.000000e+00> : vector<1000x128xf32>
    %dot_general3A_31 = tpu.matmul %mul3A_27, %get3A_30, %dot_general3A {dimension_numbers = #tpu.dot_dimension_numbers<[1], [1], [0], [0], [0, 0, 1, 0], [], []>, transpose_lhs_hint = false} : vector<1000x128xf32>, vector<128x128xf32>, vector<1000x128xf32> -> vector<1000x128xf32>
    %get3A_32 = arith.constant 0 : index
    %get3A_33 = arith.constant 0 : index
    %get3A_34 = vector.load %arg5[%get3A_32, %get3A_33] : memref<1x128xf32, #tpu.memory_space<vmem>>, vector<1x128xf32>
    %add3A_35 = vector.broadcast %get3A_34 : vector<1x128xf32> to vector<1000x128xf32>
    %add3A_36 = arith.addf %dot_general3A_31, %add3A_35 : vector<1000x128xf32>
    %max3A = arith.constant 0.000000e+00 : f32
    %max3A_37 = vector.broadcast %max3A : f32 to vector<1000x128xf32>
    %max3A_38 = arith.maximumf %add3A_36, %max3A_37 : vector<1000x128xf32>
    %swap3A = arith.constant 0 : index
    %swap3A_39 = arith.constant 0 : index
    %swap3A_40 = vector.load %arg6[%swap3A, %swap3A_39] : memref<1000x128xf32, #tpu.memory_space<vmem>>, vector<1000x128xf32>
    tpu.vector_store %arg6[%swap3A, %swap3A_39], %max3A_38 {strides = array<i32>} : memref<1000x128xf32, #tpu.memory_space<vmem>>, vector<1000x128xf32>,
    return
  }
  func.func @transform_0(%arg0: i32) -> (i32, i32) {
    %c0_i32 = arith.constant 0 : i32
    %c0_i32_0 = arith.constant 0 : i32
    return %arg0, %c0_i32 : i32, i32
  }
  func.func @transform_1(%arg0: i32) -> (i32, i32, i32) {
    %c0_i32 = arith.constant 0 : i32
    %c0_i32_0 = arith.constant 0 : i32
    %c0_i32_1 = arith.constant 0 : i32
    return %c0_i32, %arg0, %c0_i32_0 : i32, i32, i32
  }
  func.func @transform_2(%arg0: i32) -> (i32, i32, i32) {
    %c0_i32 = arith.constant 0 : i32
    %c0_i32_0 = arith.constant 0 : i32
    %c0_i32_1 = arith.constant 0 : i32
    return %c0_i32, %arg0, %c0_i32_0 : i32, i32, i32
  }
  func.func @transform_3(%arg0: i32) -> (i32, i32) {
    %c0_i32 = arith.constant 0 : i32
    %c0_i32_0 = arith.constant 0 : i32
    %c0_i32_1 = arith.constant 0 : i32
    return %c0_i32, %c0_i32_0 : i32, i32
  }
  func.func @transform_4(%arg0: i32) -> (i32, i32) {
    %c0_i32 = arith.constant 0 : i32
    %c0_i32_0 = arith.constant 0 : i32
    %c0_i32_1 = arith.constant 0 : i32
    return %c0_i32, %c0_i32_0 : i32, i32
  }
  func.func @transform_5(%arg0: i32) -> (i32, i32) {
    %c0_i32 = arith.constant 0 : i32
    %c0_i32_0 = arith.constant 0 : i32
    return %arg0, %c0_i32 : i32, i32
  }
}

</mosaic_0001>

<sc_bundles>
// kernel: kernel.6.cloned.1.call-start
scs
__scs_entry_jumppad:
0x0: {  	(pc) =	sbr.rel $0x88, $3  }
0x1: {  	(tag) =	ssettag $0x0;
	lr =	simm.s32 $0x1  }
0x2: {  	[smem:$0x3F9D] =	sst lr;
	_ =	strace $0xD0000000  }
0x3: {  	_ = 	snop  }
0x4: {  	_ = 	snop  }
0x5: {  	_ = 	snop  }
0x6: {  	_ = 	snop  }
0x7: {  	_ = 	snop  }
__scs_overlays_trampoline_lowered:
0x8: {  	[smem:$0x3FAC] =	sst s0  }
0x9: {  	[smem:$0x3FAD] =	sst s1  }
0xa: {  	[smem:$0x3FAE] =	sst s2  }
0xb: {  	[smem:$0x3FAF] =	sst s3  }
0xc: {  	[smem:$0x3FB0] =	sst s4  }
0xd: {  	[smem:$0x3FB1] =	sst s5  }
0xe: {  	[smem:$0x3FB2] =	sst s6  }
0xf: {  	[smem:$0x3FB3] =	sst s7  }
0x10: {  	[smem:$0x3FB4] =	sst s8  }
0x11: {  	[smem:$0x3FB5] =	sst s9;
	s0 =	simm.s32 @!p0 $0x0  }
0x12: {  	s1 =	sld [smem:$0x3F9B];
	s0 =	simm.s32 @p0 $0x1  }
0x13: {  	[smem:$0x3FB6] =	sst s0;
	s0 =	simm.s32 @!p1 $0x0  }
0x14: {  	s2 =	sld [smem:$0x3F9A];
	s0 =	simm.s32 @p1 $0x1  }
0x15: {  	[smem:$0x3FB7] =	sst s0;
	s0 =	simm.s32 @!p2 $0x0  }
0x16: {  	s3 =	sld [smem:$0x3FDB];
	s0 =	simm.s32 @p2 $0x1  }
0x17: {  	s4 =	simm.s32 $0x1BF5;
	[smem:$0x3FB9] =	sst s0  }
0x18: {  	s0 =	sld [smem:$0x3F9C];
	_ =	swait.ge [sflag:s4], $0x0  }
0x19: {  	s7 =	sld [smem:$0x3F9D]  }
0x1a: {  	s8 =	sadd.s32 $0xFFFFE003, lr  }
0x1b: {  	s9 =	sadd.s32 $0xFFFFFEF7, lr;
	s5 =	simm.s32 $0xFFFFFFFF;
	p2 =	slt.u32 s8, $0xFFFFF086  }
0x1c: {  	p1 =	slt.u32 s9, $0xF7A;
	s5 =	simm.s32 @!p2 $0x0  }
0x1d: {  	s5 =	simm.s32 @p1 $0x1;
	p0 =	seq.s32 s7, s2  }
0x1e: {  	s7 =	smul.u32 @!p0 $0xF7A, s2;
	p2 =	seq.s32 @!p0 s5, $0x0  }
0x1f: {  	s9 =	smul.u32 $0xF7A, s1;
	s8 =	simm.s32 @!p0 $0x1BF5;
	p2 =	por !p2, p0  }
0x20: {  	[sflag:s8] =	ssyncset.s32 @!p0 $0xFFFFF086;
	s6 =	sadd.s32 @!p0 s3, s7;
	s7 =	simm.s32 @!p0 $0x108  }
0x21: {  	s3 =	sadd.s32 s3, s9;
	s6 =	sadd.s32 @!p0 $0x88, s6;
	s7 =	simm.s32 @p2 $0x1082  }
0x22: {  	[simem:s7], [sflag:s8] =	dma.local @!p0 [hbm:s6], $0xF7A  }
0x23: {  	s9 =	sor.u32 $0xD0000000, s2;
	s6 =	simm.s32 $0x108;
	_ =	swait.ge @!p0 [sflag:s8], $0x0  }
0x24: {  	s3 =	sadd.s32 $0x88, s3;
	s6 =	simm.s32 @!p1 $0x1082;
	[sflag:s4] =	ssyncset.s32 $0xFFFFF086  }
0x25: {  	[simem:s6], [sflag:s4] =	dma.local [hbm:s3], $0xF7A  }
0x26: {  	[smem:$0x3F9D] =	sst s1;
	(tag) =	ssettag s2;
	_ =	strace s9  }
0x27: {  	s1 =	sld [smem:$0x3FAD]  }
0x28: {  	s2 =	sld [smem:$0x3FAE]  }
0x29: {  	s4 =	sld [smem:$0x3FB0]  }
0x2a: {  	p0 =	seq.s32 s5, $0x0;
	s5 =	sld [smem:$0x3FB1]  }
0x2b: {  	s6 =	sld [smem:$0x3FB2]  }
0x2c: {  	s7 =	sld [smem:$0x3FB3]  }
0x2d: {  	s3 =	simm.s32 $0x108;
	s8 =	sld [smem:$0x3FB4]  }
0x2e: {  	s3 =	simm.s32 @!p0 $0x1082;
	s9 =	sld [smem:$0x3FB5]  }
0x2f: {  	lr =	sadd.s32 s0, s3;
	s0 =	sld [smem:$0x3FAC]  }
0x30: {  	s3 =	sld [smem:$0x3FAF]  }
0x31: {  	[smem:$0x3FB8] =	sst s10  }
0x32: {  	s10 =	sld [smem:$0x3FB6];
	_ =	sdelay $0x3  }
0x33: {  	p0 =	seq.s32 s10, $0x1;
	s10 =	sld [smem:$0x3FB8];
	_ =	sdelay $0x3  }
0x34: {  	[smem:$0x3FB8] =	sst s10  }
0x35: {  	s10 =	sld [smem:$0x3FB7];
	_ =	sdelay $0x3  }
0x36: {  	p1 =	seq.s32 s10, $0x1;
	s10 =	sld [smem:$0x3FB8];
	_ =	sdelay $0x3  }
0x37: {  	[smem:$0x3FB8] =	sst s10  }
0x38: {  	s10 =	sld [smem:$0x3FB9]  }
0x39: {  	_ = 	snop;
	(pc) =	sbr.ind lr, $3  }
0x3a: {  	_ = 	snop  }
0x3b: {  	_ = 	snop  }
0x3c: {  	p2 =	seq.s32 s10, $0x1;
	s10 =	sld [smem:$0x3FB8]  }
0x3d: {  	_ =	shalt  }
0x3e: {  	_ =	shalt  }
0x3f: {  	_ =	shalt  }
0x40: {  	_ =	shalt  }
0x41: {  	_ =	shalt  }
0x42: {  	_ =	shalt  }
0x43: {  	_ =	shalt  }
0x44: {  	_ =	shalt  }
0x45: {  	_ =	shalt  }
0x46: {  	_ =	shalt  }
0x47: {  	_ =	shalt  }
0x48: {  	_ =	shalt  }
0x49: {  	_ =	shalt  }
0x4a: {  	_ =	shalt  }
0x4b: {  	_ =	shalt  }
0x4c: {  	_ =	shalt  }
0x4d: {  	_ =	shalt  }
0x4e: {  	_ =	shalt  }
0x4f: {  	_ =	shalt  }
0x50: {  	_ =	shalt  }
0x51: {  	_ =	shalt  }
0x52: {  	_ =	shalt  }
0x53: {  	_ =	shalt  }
0x54: {  	_ =	shalt  }
0x55: {  	_ =	shalt  }
0x56: {  	_ =	shalt  }
0x57: {  	_ =	shalt  }
0x58: {  	_ =	shalt  }
0x59: {  	_ =	shalt  }
0x5a: {  	_ =	shalt  }
0x5b: {  	_ =	shalt  }
0x5c: {  	_ =	shalt  }
0x5d: {  	_ =	shalt  }
0x5e: {  	_ =	shalt  }
0x5f: {  	_ =	shalt  }
0x60: {  	_ =	shalt  }
0x61: {  	_ =	shalt  }
0x62: {  	_ =	shalt  }
0x63: {  	_ =	shalt  }
0x64: {  	_ =	shalt  }
0x65: {  	_ =	shalt  }
0x66: {  	_ =	shalt  }
0x67: {  	_ =	shalt  }
0x68: {  	_ =	shalt  }
0x69: {  	_ =	shalt  }
0x6a: {  	_ =	shalt  }
0x6b: {  	_ =	shalt  }
0x6c: {  	_ =	shalt  }
0x6d: {  	_ =	shalt  }
0x6e: {  	_ =	shalt  }
0x6f: {  	_ =	shalt  }
0x70: {  	_ =	shalt  }
0x71: {  	_ =	shalt  }
0x72: {  	_ =	shalt  }
0x73: {  	_ =	shalt  }
0x74: {  	_ =	shalt  }
0x75: {  	_ =	shalt  }
0x76: {  	_ =	shalt  }
0x77: {  	_ =	shalt  }
0x78: {  	_ =	shalt  }
0x79: {  	_ =	shalt  }
0x7a: {  	_ =	shalt  }
0x7b: {  	_ =	shalt  }
0x7c: {  	_ =	shalt  }
0x7d: {  	_ =	shalt  }
0x7e: {  	_ =	shalt  }
0x7f: {  	_ =	shalt  }
0x80: {  	_ =	shalt  }
0x81: {  	_ =	shalt  }
0x82: {  	_ =	shalt  }
0x83: {  	_ =	shalt  }
0x84: {  	_ =	shalt  }
0x85: {  	_ =	shalt  }
0x86: {  	_ =	shalt  }
0x87: {  	_ =	shalt  }
.Lfunc_end0:
.L_simem_size_0:
called_computation_lowered:
.L_overlay_start_0:
0x88: {  	s2 =	sld [smem:$0x3FD9]  }
0x89: {  	s3 =	sld [smem:$0x3FFE];
	_ =	sdelay $0x1  }
0x8a: {  	s1 =	srdreg.scid  }
0x8b: {  	s0 =	sand.u32 $0x1, s1  }
0x8c: {  	s16 =	sshll.u32 s0, $0xA;
	s2 =	sadd.s32 s3, s2  }
0x8d: {  	s2 =	sadd.s32 s2, s16  }
0x8e: {  	[smem:$0x3FC4] =	sst s2  }
0x8f: {  	_ = 	snop  }
0x90: {  	(tm) =	ssettm $0x1  }
0x91: {  	s17 =	sld [smem:$0x3FFB];
	_ =	sdelay $0x3  }
0x92: {  	_ =	strace s17  }
0x93: {  	s2 =	sld [smem:$0x3FFC];
	_ =	sdelay $0x3  }
0x94: {  	_ =	strace s2  }
0x95: {  	s2 =	sld [smem:$0x3FFD];
	_ =	sdelay $0x3  }
0x96: {  	_ =	strace s2  }
0x97: {  	_ =	strace $0x8FFFFFFF  }
0x98: {  	s18 =	sld [smem:$0x3FDB];
	_ =	sdelay $0x1  }
0x99: {  	s19 =	simm.s32 $_scs_section_size  }
0x9a: {  	s4 =	simm.s32 $_size__tile_overlayer_lowered;
	s5 =	simm.s32 $_tile_overlayer_lowered  }
0x9b: {  	s22 =	simm.s32 $0x1BFF;
	s21 =	sshll.u32 s5, $0x1;
	s2 =	sadd.s32 s19, s18  }
0x9c: {  	s6 =	simm.s32 $0x0;
	s20 =	sshll.u32 s4, $0x1;
	s4 =	sadd.s32 s21, s2  }
0x9d: {  	[timem:s6], [sflag:s22] =	dma.local [hbm:s4], s20  }
0x9e: {  	_ =	swait.ge [sflag:s22], s20  }
0x9f: {  	s3 =	ssub.s32 $0x0, s20;
	[sflag:s22] =	ssyncset.done $0x0  }
0xa0: {  	[sflag:s22] =	ssyncadd.s32 s3;
	_ =	sdelay $0x1  }
0xa1: {  	s23 =	simm.s32 $0x1B8B  }
0xa2: {  	_ =	swait.ge [sflag:s23], $0x1  }
0xa3: {  	[sflag:s23] =	ssyncset.done $0x0  }
0xa4: {  	s25 =	simm.s32 $0x1B8E;
	s24 =	sld [smem:$0x3FFE];
	[sflag:s23] =	ssyncadd.s32 $0xFFFFFFFF  }
0xa5: {  	s26 =	simm.s32 $execute0_lowered;
	[smem:$0x3FD2] =	sst s25  }
0xa6: {  	s4 =	sshll.u32 s26, $0x1;
	_ =	strace $0x80000046;
	[dreg:$0x1] =	wrdreg $0xFFFFFFFF  }
0xa7: {  	s28 =	simm.s32 $_size_execute0_lowered;
	s2 =	sadd.s32 s2, s4;
	[dreg:$0x0] =	wrdreg $0x0  }
0xa8: {  	s4 =	sshll.u32 s28, $0x1;
	[dreg:$0x2] =	wrdreg s2  }
0xa9: {  	[dreg:$0x3] =	wrdreg s4  }
0xaa: {  	[dreg:$0x4] =	wrdreg $0xC0  }
0xab: {  	_ =	task [dreg:s6], $0x5FFFF  }
0xac: {  	[dreg:$0x1] =	wrdreg $0xFFFFFFFF  }
0xad: {  	[dreg:$0x0] =	wrdreg $0x60  }
0xae: {  	[dreg:$0x2] =	wrdreg s24  }
0xaf: {  	[dreg:$0x3] =	wrdreg $0x1A8000  }
0xb0: {  	[dreg:$0x4] =	wrdreg $0x9  }
0xb1: {  	_ =	task.clear_ibuf [dreg:s6], $0x5FFFF;
	_ =	strace $0x90000046  }
0xb2: {  	s29 =	simm.s32 $0x9;
	_ =	strace $0x80000048  }
0xb3: {  	_ =	swait.ge [sflag:s29], $0x1  }
0xb4: {  	[sflag:s29] =	ssyncadd.s32 $0xFFFFFFFF  }
0xb5: {  	_ =	strace $0x90000048  }
0xb6: {  	_ =	sfence  }
0xb7: {  	s30 =	sld [smem:$0x0];
	_ =	sdelay $0x2  }
0xb8: {  	s31 =	sshll.u32 s1, $0xD;
	s1 =	sshrl.u32 s1, $0x2  }
0xb9: {  	s3 =	sand.u32 $0x4000, s31;
	s1 =	sadd.s32 s1, s30  }
0xba: {  	s0 =	sor.u32 s3, s0;
	s1 =	sshll.u32 s1, $0x11  }
0xbb: {  	s0 =	sor.u32 s1, s0  }
0xbc: {  	s0 =	sadd.s32 $0x8F2B, s0  }
0xbd: {  	[sflag:s0] =	ssyncadd.remote.s32 $0x1  }
0xbe: {  	_ =	sfence.sel $0xFFFF  }
0xbf: {  	[dreg:$0x0] =	wrdreg $0xFFFFFFFF;
	(pc) =	sbr.abs _section_cstart, $3  }
0xc0: {  	[dreg:$0x1] =	wrdreg $0xFFFFFFFF  }
0xc1: {  	_ =	task.clear_ibuf [dreg:s6], $0x2FFFF;
	_ =	strace $0x9FFFFFFF  }
0xc2: {  	(tm) =	ssettm $0x7FFFFFFF  }
0xc3: {  	_ =	shalt  }
tec
execute0_lowered:
.L_overlay_start_1:
0x0: {  	(tag) =	ssettag $0x1  }
0x1: {  	s4 =	rddreg [dreg:$0x0]  }
0x2: {  	s2 =	rddreg [dreg:$0x1]  }
0x3: {  	s0 =	srdreg.scid;
	s1 =	rddreg [dreg:$0x2];
	s3 =	simm.s32 $0x0  }
0x4: {  	s9 =	simm.s32 $0x80;
	s10 =	simm.s32 $0x2800;
	s5 =	sand.u32 $0x1, s0  }
0x5: {  	s0 =	stileid.u32;
	s6 =	smul.u32 $0x140000, s5;
	s7 =	sshll.u32 s5, $0x4  }
0x6: {  	s11 =	simm.s32 $0x0;
	s8 =	smul.u32 $0x14000, s0;
	s7 =	sor.u32 s0, s7  }
0x7: {  	[smem:$0x7FF] =	sst s3;
	s5 =	ssub.s32 $0x2, s5;
	s7 =	smul.u32 $0x500, s7  }
0x8: {  	_ =	strace $0x80000047;
	s30 =	sshrl.u32 s5, $0x1;
	s6 =	sadd.s32 s8, s6  }
0x9: {  	s31 =	ssub.s32 s5, s30;
	s6 =	sshrl.u32 s6, $0x3;
	s7 =	sadd.s32 s7, s4  }
0xa: {  	s8 =	simm.s32 $0x1;
	s6 =	sadd.s32 s6, s4;
	s4 =	sadd.s32 $0x1400, s7  }
0xb: {  	v0 =	vimm.f32 $1.000000000e+00;
	v1 =	vimm.f32 $0.0e+00;
	s5 =	sadd.s32 $0xB400, s6;
	s6 =	smax.u32 s31, $0x1;
	s7 =	simm.s32 $0x6800  }
.LBB2_1:
0xc: {  	s12 =	simm.s32 $0x0  }
.LBB2_2:
0xd: {  	p0 =	sne.s32 s12, $0xFE00  }
.Ltmp0:
0xe: {  	_ = 	snop;
	(pc) =	sbr.rel @p0 .LBB2_2-.Ltmp0, $3  }
0xf: {  	_ =	sdelay $0x1  }
0x10: {  	s13 =	sshra.s32 s12, $0x2  }
0x11: {  	s12 =	sadd.s32 $0x200, s12;
	[tilespmem:s13+$0x2800] =	vst v0  }
0x12: {  	s12 =	simm.s32 $0x200;
	s13 =	simm.s32 $0x0  }
.LBB2_4:
0x13: {  	p0 =	sne.s32 s12, $0x4FE00;
	[tilespmem:s13+$0x6800] =	vst v1;
	s13 =	smov.u32 s12;
	s12 =	sadd.s32 $0x200, s12  }
.Ltmp1:
0x14: {  	(pc) =	sbr.rel @p0 .LBB2_4-.Ltmp1, $2  }
0x15: {  	_ =	sdelay $0x2  }
0x16: {  	s13 =	sshra.s32 s13, $0x2  }
0x17: {  	[tilespmem:s13+$0x6800] =	vst v1  }
0x18: {  	[spmem:s2] =	stream.linear.scatter [tilespmem:s7], [sflag:$0x1], $0x14000, $0x38;
	[tilespmem:$0x1D000] =	vst v63  }
0x19: {  	_ =	swait.ge [sflag:s8], $0x14000  }
0x1a: {  	[sflag:s8] =	ssyncset.done $0x0  }
0x1b: {  	s12 =	simm.s32 $0x0;
	[sflag:s8] =	ssyncadd.s32 $0xFFFEC000  }
0x1c: {  	[tilespmem:s12], [sflag:$0x1] =	stream.linear.gather [hbm4b:s4+s12], $0x2780, $0x38;
	[tilespmem:$0x1D000] =	vst v63  }
0x1d: {  	_ =	swait.ge [sflag:s8], $0x2780  }
0x1e: {  	[sflag:s8] =	ssyncset.done $0x0  }
0x1f: {  	[sflag:s8] =	ssyncadd.s32 $0xFFFFD880  }
0x20: {  	s31 =	simm.s32 $0x0;
	[bflag:$0x0] =	sbarrier.arrive $0xFFFF  }
0x21: {  	[spmem:s2] =	stream.indirect.scatter.add.f32 [tilespmem:s10], [sflag:$0x1], $0x10, s31, s9, $0xb8;
	[tilespmem:$0x1D000] =	vst v63  }
0x22: {  	_ =	swait.ge [sflag:s8], $0x800  }
0x23: {  	s12 =	simm.s32 $0x200;
	[sflag:s8] =	ssyncset.done $0x0  }
.LBB2_6:
0x24: {  	s13 =	sshra.s32 s12, $0x2;
	[sflag:s8] =	ssyncadd.s32 $0xFFFFF800;
	p0 =	sne.s32 s12, $0x9C00  }
0x25: {  	[spmem:s2] =	stream.indirect.scatter.add.f32 [tilespmem:s10], [sflag:$0x1], $0x10, s13, s9, $0xb8;
	[tilespmem:$0x1D000] =	vst v63  }
.Ltmp2:
0x26: {  	_ = 	snop;
	(pc) =	sbr.rel @p0 .LBB2_6-.Ltmp2, $4  }
0x27: {  	_ = 	snop  }
0x28: {  	s12 =	sadd.s32 $0x200, s12  }
0x29: {  	_ =	swait.ge [sflag:s8], $0x800  }
0x2a: {  	[sflag:s8] =	ssyncset.done $0x0  }
0x2b: {  	[sflag:s8] =	ssyncadd.s32 $0xFFFFF800  }
0x2c: {  	[bflag:$0x0] =	sbarrier.arrive $0xFFFF  }
0x2d: {  	[tilespmem:s7], [sflag:$0x1] =	stream.linear.gather [spmem:s2], $0x14000, $0x38;
	[tilespmem:$0x1D000] =	vst v63  }
0x2e: {  	s11 =	sadd.s32 $0x1, s11;
	_ =	swait.ge [sflag:s8], $0x14000  }
0x2f: {  	p0 =	sne.s32 s11, s6;
	[sflag:s8] =	ssyncset.done $0x0  }
.Ltmp3:
0x30: {  	[sflag:s8] =	ssyncadd.s32 $0xFFFEC000;
	(pc) =	sbr.rel @p0 .LBB2_1-.Ltmp3, $4  }
0x31: {  	[hbm4b:s5+s3] =	stream.linear.scatter [tilespmem:s7], [sflag:$0x1], $0x14000, $0x38;
	[tilespmem:$0x1D000] =	vst v63  }
0x32: {  	_ =	swait.ge [sflag:s8], $0x14000  }
0x33: {  	[sflag:s8] =	ssyncset.done $0x0  }
0x34: {  	[sflag:s8] =	ssyncadd.s32 $0xFFFEC000  }
0x35: {  	_ =	sfence.sel $0x180000  }
0x36: {  	[bflag:$0x0] =	sbarrier.arrive $0xFFFF  }
0x37: {  	p0 =	sne.s32 s0, $0x0;
	_ =	strace $0x90000047  }
0x38: {  	s0 =	sadd.s32 @!p0 $0x100000, s1;
	[bflag:$0x2] =	sbarrier.arrive $0xFFFF  }
0x39: {  	[sflag:s0] =	ssyncadd.tile.s32 @!p0 $0x1;
	_ =	shalt  }
.Lfunc_end2:
_tile_overlayer_lowered:
.L_overlay_start_2:
0x3a: {  	(tag) =	ssettag $0x2  }
0x3b: {  	s0 =	rddreg [dreg:$0x0];
	s2 =	stileid.u32  }
0x3c: {  	s1 =	rddreg [dreg:$0x1];
	p0 =	sne.s32 s2, $0x0  }
0x3d: {  	s3 =	rddreg [dreg:$0x2];
	[bflag:$0x3] =	sbarrier.arrive $0xFFFF;
	s2 =	simm.s32 @!p0 $0x1C01  }
0x3e: {  	[timem:s3], [sflag:s2] =	dma.local @!p0 [hbm:s0], s1  }
0x3f: {  	s0 =	simm.s32 @!p0 $0x1  }
0x40: {  	_ =	swait.ge @!p0 [sflag:s0], s1  }
0x41: {  	s1 =	ssub.s32 @!p0 $0x0, s1;
	[sflag:s0] =	ssyncset.done @!p0 $0x0  }
0x42: {  	[sflag:s0] =	ssyncadd.s32 @!p0 s1  }
0x43: {  	[bflag:$0x3] =	sbarrier.arrive $0xFFFF  }
0x44: {  	_ =	shalt  }

// kernel: kernel.9.cloned.1.call-start
scs
__scs_entry_jumppad:
0x0: {  	(pc) =	sbr.rel $0x88, $3  }
0x1: {  	(tag) =	ssettag $0x0;
	lr =	simm.s32 $0x1  }
0x2: {  	[smem:$0x3F9D] =	sst lr;
	_ =	strace $0xD0000000  }
0x3: {  	_ = 	snop  }
0x4: {  	_ = 	snop  }
0x5: {  	_ = 	snop  }
0x6: {  	_ = 	snop  }
0x7: {  	_ = 	snop  }
__scs_overlays_trampoline_lowered:
0x8: {  	[smem:$0x3FAC] =	sst s0  }
0x9: {  	[smem:$0x3FAD] =	sst s1  }
0xa: {  	[smem:$0x3FAE] =	sst s2  }
0xb: {  	[smem:$0x3FAF] =	sst s3  }
0xc: {  	[smem:$0x3FB0] =	sst s4  }
0xd: {  	[smem:$0x3FB1] =	sst s5  }
0xe: {  	[smem:$0x3FB2] =	sst s6  }
0xf: {  	[smem:$0x3FB3] =	sst s7  }
0x10: {  	[smem:$0x3FB4] =	sst s8  }
0x11: {  	[smem:$0x3FB5] =	sst s9;
	s0 =	simm.s32 @!p0 $0x0  }
0x12: {  	s1 =	sld [smem:$0x3F9B];
	s0 =	simm.s32 @p0 $0x1  }
0x13: {  	[smem:$0x3FB6] =	sst s0;
	s0 =	simm.s32 @!p1 $0x0  }
0x14: {  	s2 =	sld [smem:$0x3F9A];
	s0 =	simm.s32 @p1 $0x1  }
0x15: {  	[smem:$0x3FB7] =	sst s0;
	s0 =	simm.s32 @!p2 $0x0  }
0x16: {  	s3 =	sld [smem:$0x3FDB];
	s0 =	simm.s32 @p2 $0x1  }
0x17: {  	s4 =	simm.s32 $0x1BF5;
	[smem:$0x3FB9] =	sst s0  }
0x18: {  	s0 =	sld [smem:$0x3F9C];
	_ =	swait.ge [sflag:s4], $0x0  }
0x19: {  	s7 =	sld [smem:$0x3F9D]  }
0x1a: {  	s8 =	sadd.s32 $0xFFFFE003, lr  }
0x1b: {  	s9 =	sadd.s32 $0xFFFFFEF7, lr;
	s5 =	simm.s32 $0xFFFFFFFF;
	p2 =	slt.u32 s8, $0xFFFFF086  }
0x1c: {  	p1 =	slt.u32 s9, $0xF7A;
	s5 =	simm.s32 @!p2 $0x0  }
0x1d: {  	s5 =	simm.s32 @p1 $0x1;
	p0 =	seq.s32 s7, s2  }
0x1e: {  	s7 =	smul.u32 @!p0 $0xF7A, s2;
	p2 =	seq.s32 @!p0 s5, $0x0  }
0x1f: {  	s9 =	smul.u32 $0xF7A, s1;
	s8 =	simm.s32 @!p0 $0x1BF5;
	p2 =	por !p2, p0  }
0x20: {  	[sflag:s8] =	ssyncset.s32 @!p0 $0xFFFFF086;
	s6 =	sadd.s32 @!p0 s3, s7;
	s7 =	simm.s32 @!p0 $0x108  }
0x21: {  	s3 =	sadd.s32 s3, s9;
	s6 =	sadd.s32 @!p0 $0x88, s6;
	s7 =	simm.s32 @p2 $0x1082  }
0x22: {  	[simem:s7], [sflag:s8] =	dma.local @!p0 [hbm:s6], $0xF7A  }
0x23: {  	s9 =	sor.u32 $0xD0000000, s2;
	s6 =	simm.s32 $0x108;
	_ =	swait.ge @!p0 [sflag:s8], $0x0  }
0x24: {  	s3 =	sadd.s32 $0x88, s3;
	s6 =	simm.s32 @!p1 $0x1082;
	[sflag:s4] =	ssyncset.s32 $0xFFFFF086  }
0x25: {  	[simem:s6], [sflag:s4] =	dma.local [hbm:s3], $0xF7A  }
0x26: {  	[smem:$0x3F9D] =	sst s1;
	(tag) =	ssettag s2;
	_ =	strace s9  }
0x27: {  	s1 =	sld [smem:$0x3FAD]  }
0x28: {  	s2 =	sld [smem:$0x3FAE]  }
0x29: {  	s4 =	sld [smem:$0x3FB0]  }
0x2a: {  	p0 =	seq.s32 s5, $0x0;
	s5 =	sld [smem:$0x3FB1]  }
0x2b: {  	s6 =	sld [smem:$0x3FB2]  }
0x2c: {  	s7 =	sld [smem:$0x3FB3]  }
0x2d: {  	s3 =	simm.s32 $0x108;
	s8 =	sld [smem:$0x3FB4]  }
0x2e: {  	s3 =	simm.s32 @!p0 $0x1082;
	s9 =	sld [smem:$0x3FB5]  }
0x2f: {  	lr =	sadd.s32 s0, s3;
	s0 =	sld [smem:$0x3FAC]  }
0x30: {  	s3 =	sld [smem:$0x3FAF]  }
0x31: {  	[smem:$0x3FB8] =	sst s10  }
0x32: {  	s10 =	sld [smem:$0x3FB6];
	_ =	sdelay $0x3  }
0x33: {  	p0 =	seq.s32 s10, $0x1;
	s10 =	sld [smem:$0x3FB8];
	_ =	sdelay $0x3  }
0x34: {  	[smem:$0x3FB8] =	sst s10  }
0x35: {  	s10 =	sld [smem:$0x3FB7];
	_ =	sdelay $0x3  }
0x36: {  	p1 =	seq.s32 s10, $0x1;
	s10 =	sld [smem:$0x3FB8];
	_ =	sdelay $0x3  }
0x37: {  	[smem:$0x3FB8] =	sst s10  }
0x38: {  	s10 =	sld [smem:$0x3FB9]  }
0x39: {  	_ = 	snop;
	(pc) =	sbr.ind lr, $3  }
0x3a: {  	_ = 	snop  }
0x3b: {  	_ = 	snop  }
0x3c: {  	p2 =	seq.s32 s10, $0x1;
	s10 =	sld [smem:$0x3FB8]  }
0x3d: {  	_ =	shalt  }
0x3e: {  	_ =	shalt  }
0x3f: {  	_ =	shalt  }
0x40: {  	_ =	shalt  }
0x41: {  	_ =	shalt  }
0x42: {  	_ =	shalt  }
0x43: {  	_ =	shalt  }
0x44: {  	_ =	shalt  }
0x45: {  	_ =	shalt  }
0x46: {  	_ =	shalt  }
0x47: {  	_ =	shalt  }
0x48: {  	_ =	shalt  }
0x49: {  	_ =	shalt  }
0x4a: {  	_ =	shalt  }
0x4b: {  	_ =	shalt  }
0x4c: {  	_ =	shalt  }
0x4d: {  	_ =	shalt  }
0x4e: {  	_ =	shalt  }
0x4f: {  	_ =	shalt  }
0x50: {  	_ =	shalt  }
0x51: {  	_ =	shalt  }
0x52: {  	_ =	shalt  }
0x53: {  	_ =	shalt  }
0x54: {  	_ =	shalt  }
0x55: {  	_ =	shalt  }
0x56: {  	_ =	shalt  }
0x57: {  	_ =	shalt  }
0x58: {  	_ =	shalt  }
0x59: {  	_ =	shalt  }
0x5a: {  	_ =	shalt  }
0x5b: {  	_ =	shalt  }
0x5c: {  	_ =	shalt  }
0x5d: {  	_ =	shalt  }
0x5e: {  	_ =	shalt  }
0x5f: {  	_ =	shalt  }
0x60: {  	_ =	shalt  }
0x61: {  	_ =	shalt  }
0x62: {  	_ =	shalt  }
0x63: {  	_ =	shalt  }
0x64: {  	_ =	shalt  }
0x65: {  	_ =	shalt  }
0x66: {  	_ =	shalt  }
0x67: {  	_ =	shalt  }
0x68: {  	_ =	shalt  }
0x69: {  	_ =	shalt  }
0x6a: {  	_ =	shalt  }
0x6b: {  	_ =	shalt  }
0x6c: {  	_ =	shalt  }
0x6d: {  	_ =	shalt  }
0x6e: {  	_ =	shalt  }
0x6f: {  	_ =	shalt  }
0x70: {  	_ =	shalt  }
0x71: {  	_ =	shalt  }
0x72: {  	_ =	shalt  }
0x73: {  	_ =	shalt  }
0x74: {  	_ =	shalt  }
0x75: {  	_ =	shalt  }
0x76: {  	_ =	shalt  }
0x77: {  	_ =	shalt  }
0x78: {  	_ =	shalt  }
0x79: {  	_ =	shalt  }
0x7a: {  	_ =	shalt  }
0x7b: {  	_ =	shalt  }
0x7c: {  	_ =	shalt  }
0x7d: {  	_ =	shalt  }
0x7e: {  	_ =	shalt  }
0x7f: {  	_ =	shalt  }
0x80: {  	_ =	shalt  }
0x81: {  	_ =	shalt  }
0x82: {  	_ =	shalt  }
0x83: {  	_ =	shalt  }
0x84: {  	_ =	shalt  }
0x85: {  	_ =	shalt  }
0x86: {  	_ =	shalt  }
0x87: {  	_ =	shalt  }
.Lfunc_end0:
.L_simem_size_0:
called_computation.1_lowered:
.L_overlay_start_0:
0x88: {  	s2 =	sld [smem:$0x3FD9]  }
0x89: {  	s3 =	sld [smem:$0x3FFE];
	_ =	sdelay $0x1  }
0x8a: {  	s1 =	srdreg.scid  }
0x8b: {  	s0 =	sand.u32 $0x1, s1  }
0x8c: {  	s17 =	sshll.u32 s0, $0xA;
	s2 =	sadd.s32 s3, s2  }
0x8d: {  	s2 =	sadd.s32 s2, s17  }
0x8e: {  	[smem:$0x3FC4] =	sst s2  }
0x8f: {  	_ = 	snop  }
0x90: {  	s2 =	sld [smem:$0x3FD0];
	(tm) =	ssettm $0x1  }
0x91: {  	s18 =	sld [smem:$0x3FFB];
	_ =	sdelay $0x3  }
0x92: {  	_ =	strace s18  }
0x93: {  	s3 =	sld [smem:$0x3FFC];
	_ =	sdelay $0x3  }
0x94: {  	_ =	strace s3  }
0x95: {  	s3 =	sld [smem:$0x3FFD];
	_ =	sdelay $0x3  }
0x96: {  	_ =	strace s3  }
0x97: {  	_ =	strace $0x8FFFFFFF  }
0x98: {  	s19 =	sld [smem:$0x3FDB];
	_ =	sdelay $0x1  }
0x99: {  	s4 =	simm.s32 $_scs_section_size  }
0x9a: {  	s5 =	simm.s32 $_size__tile_overlayer_lowered;
	s6 =	simm.s32 $_tile_overlayer_lowered  }
0x9b: {  	s22 =	simm.s32 $0x1BFF;
	s21 =	sshll.u32 s6, $0x1;
	s3 =	sadd.s32 s4, s19  }
0x9c: {  	s7 =	simm.s32 $0x0;
	s20 =	sshll.u32 s5, $0x1;
	s5 =	sadd.s32 s21, s3  }
0x9d: {  	[timem:s7], [sflag:s22] =	dma.local [hbm:s5], s20  }
0x9e: {  	_ =	swait.ge [sflag:s22], s20  }
0x9f: {  	s4 =	ssub.s32 $0x0, s20;
	[sflag:s22] =	ssyncset.done $0x0  }
0xa0: {  	[sflag:s22] =	ssyncadd.s32 s4;
	_ =	sdelay $0x1  }
0xa1: {  	s23 =	simm.s32 $0x1B8B  }
0xa2: {  	_ =	swait.ge [sflag:s23], $0x1  }
0xa3: {  	[sflag:s23] =	ssyncset.done $0x0  }
0xa4: {  	s25 =	simm.s32 $0x1B8E;
	s24 =	sld [smem:$0x3FFE];
	[sflag:s23] =	ssyncadd.s32 $0xFFFFFFFF  }
0xa5: {  	s26 =	simm.s32 $execute0_lowered;
	[smem:$0x3FD2] =	sst s25  }
0xa6: {  	s5 =	sshll.u32 s26, $0x1;
	_ =	strace $0x80000049;
	[dreg:$0x1] =	wrdreg $0xFFFFFFFF  }
0xa7: {  	s28 =	simm.s32 $_size_execute0_lowered;
	s3 =	sadd.s32 s3, s5;
	[dreg:$0x0] =	wrdreg $0x0  }
0xa8: {  	s5 =	sshll.u32 s28, $0x1;
	[dreg:$0x2] =	wrdreg s3  }
0xa9: {  	[dreg:$0x3] =	wrdreg s5  }
0xaa: {  	[dreg:$0x4] =	wrdreg $0xC0  }
0xab: {  	_ =	task [dreg:s7], $0x5FFFF  }
0xac: {  	[dreg:$0x1] =	wrdreg $0xFFFFFFFF  }
0xad: {  	[dreg:$0x0] =	wrdreg $0x60  }
0xae: {  	[dreg:$0x2] =	wrdreg s2  }
0xaf: {  	[dreg:$0x3] =	wrdreg s24  }
0xb0: {  	[dreg:$0x4] =	wrdreg $0x90000  }
0xb1: {  	[dreg:$0x5] =	wrdreg $0x9  }
0xb2: {  	_ =	task.clear_ibuf [dreg:s7], $0x6FFFF;
	_ =	strace $0x90000049  }
0xb3: {  	s29 =	simm.s32 $0x9;
	_ =	strace $0x8000004B  }
0xb4: {  	_ =	swait.ge [sflag:s29], $0x1  }
0xb5: {  	[sflag:s29] =	ssyncadd.s32 $0xFFFFFFFF  }
0xb6: {  	_ =	strace $0x9000004B  }
0xb7: {  	_ =	sfence  }
0xb8: {  	s30 =	sld [smem:$0x0];
	_ =	sdelay $0x2  }
0xb9: {  	s31 =	sshll.u32 s1, $0xD;
	s1 =	sshrl.u32 s1, $0x2  }
0xba: {  	s3 =	sand.u32 $0x4000, s31;
	s1 =	sadd.s32 s1, s30  }
0xbb: {  	s0 =	sor.u32 s3, s0;
	s1 =	sshll.u32 s1, $0x11  }
0xbc: {  	s0 =	sor.u32 s1, s0  }
0xbd: {  	s0 =	sadd.s32 $0x8F2B, s0  }
0xbe: {  	[sflag:s0] =	ssyncadd.remote.s32 $0x1  }
0xbf: {  	_ =	sfence.sel $0xFFFF  }
0xc0: {  	[dreg:$0x0] =	wrdreg $0xFFFFFFFF;
	(pc) =	sbr.abs _section_cstart, $3  }
0xc1: {  	[dreg:$0x1] =	wrdreg $0xFFFFFFFF  }
0xc2: {  	_ =	task.clear_ibuf [dreg:s7], $0x2FFFF;
	_ =	strace $0x9FFFFFFF  }
0xc3: {  	(tm) =	ssettm $0x7FFFFFFF  }
tec
execute0_lowered:
.L_overlay_start_1:
0x0: {  	(tag) =	ssettag $0x1  }
0x1: {  	s1 =	rddreg [dreg:$0x0]  }
0x2: {  	s5 =	rddreg [dreg:$0x1]  }
0x3: {  	s3 =	rddreg [dreg:$0x2];
	s2 =	srdreg.scid  }
0x4: {  	s0 =	rddreg [dreg:$0x3];
	s4 =	simm.s32 $0x0;
	s17 =	simm.s32 $0x5000  }
0x5: {  	s18 =	simm.s32 $0x2;
	s19 =	simm.s32 $0x2800;
	s20 =	simm.s32 $0x80  }
0x6: {  	s21 =	simm.s32 $0x1;
	s6 =	sand.u32 $0x1, s2;
	s2 =	stileid.u32  }
0x7: {  	s22 =	simm.s32 $0x0;
	[smem:$0x7FF] =	sst s4;
	s7 =	smul.u32 $0x140000, s6  }
0x8: {  	s8 =	sshll.u32 s6, $0x4;
	s9 =	smul.u32 $0x14000, s2;
	s6 =	ssub.s32 $0x2, s6  }
0x9: {  	_ =	strace $0x8000004A;
	s8 =	sor.u32 s2, s8;
	s31 =	sshrl.u32 s6, $0x1  }
0xa: {  	s8 =	smul.u32 $0x500, s8;
	s7 =	sadd.s32 s9, s7;
	s16 =	ssub.s32 s6, s31  }
0xb: {  	s6 =	sadd.s32 $0x8000, s3;
	s7 =	sshrl.u32 s7, $0x3;
	s16 =	smax.u32 s16, $0x1  }
0xc: {  	s10 =	sadd.s32 s8, s5;
	s15 =	sadd.s32 s7, s5;
	s5 =	sadd.s32 $0x4000, s3  }
0xd: {  	s7 =	sadd.s32 $0xC000, s3;
	s8 =	sadd.s32 $0x10000, s3;
	s9 =	sadd.s32 $0x5B400, s10  }
0xe: {  	s10 =	sadd.s32 $0x1400, s10;
	s11 =	sadd.s32 $0x65400, s15;
	s12 =	sadd.s32 $0x65C00, s15  }
0xf: {  	v0 =	vimm.f32 $0.0e+00;
	s13 =	sadd.s32 $0x66400, s15;
	s14 =	sadd.s32 $0x66C00, s15;
	s15 =	sadd.s32 $0x67400, s15  }
.LBB2_1:
0x10: {  	s23 =	simm.s32 $0x0;
	s24 =	simm.s32 $0x200  }
.LBB2_2:
0x11: {  	p0 =	sne.s32 s24, $0xFE00;
	[tilespmem:s23+$0x5070] =	vst v0  }
0x12: {  	[tilespmem:s23+$0x5000] =	vst v0  }
0x13: {  	[tilespmem:s23+$0x5010] =	vst v0  }
.Ltmp0:
0x14: {  	[tilespmem:s23+$0x5020] =	vst v0;
	(pc) =	sbr.rel @p0 .LBB2_2-.Ltmp0, $4  }
0x15: {  	[tilespmem:s23+$0x5030] =	vst v0  }
0x16: {  	[tilespmem:s23+$0x5040] =	vst v0  }
0x17: {  	[tilespmem:s23+$0x5050] =	vst v0  }
0x18: {  	[tilespmem:s23+$0x5060] =	vst v0;
	s23 =	sshra.s32 s24, $0x2;
	s24 =	sadd.s32 $0x200, s24  }
0x19: {  	[tilespmem:s23+$0x5070] =	vst v0  }
0x1a: {  	[tilespmem:s23+$0x5000] =	vst v0  }
0x1b: {  	[tilespmem:s23+$0x5010] =	vst v0  }
0x1c: {  	[tilespmem:s23+$0x5020] =	vst v0  }
0x1d: {  	[tilespmem:s23+$0x5030] =	vst v0  }
0x1e: {  	[tilespmem:s23+$0x5040] =	vst v0  }
0x1f: {  	[tilespmem:s23+$0x5050] =	vst v0  }
0x20: {  	[tilespmem:s23+$0x5060] =	vst v0  }
0x21: {  	[spmem:s3] =	stream.linear.scatter [tilespmem:s17], [sflag:$0x2], $0x4000, $0x38;
	[tilespmem:$0x1D000] =	vst v63  }
0x22: {  	_ =	swait.ge [sflag:s18], $0x4000  }
0x23: {  	[sflag:s18] =	ssyncset.done $0x0  }
0x24: {  	[sflag:s18] =	ssyncadd.s32 $0xFFFFC000  }
0x25: {  	[spmem:s5] =	stream.linear.scatter [tilespmem:s17], [sflag:$0x2], $0x4000, $0x38;
	[tilespmem:$0x1D000] =	vst v63  }
0x26: {  	_ =	swait.ge [sflag:s18], $0x4000  }
0x27: {  	[sflag:s18] =	ssyncset.done $0x0  }
0x28: {  	[sflag:s18] =	ssyncadd.s32 $0xFFFFC000  }
0x29: {  	[spmem:s6] =	stream.linear.scatter [tilespmem:s17], [sflag:$0x2], $0x4000, $0x38;
	[tilespmem:$0x1D000] =	vst v63  }
0x2a: {  	_ =	swait.ge [sflag:s18], $0x4000  }
0x2b: {  	[sflag:s18] =	ssyncset.done $0x0  }
0x2c: {  	[sflag:s18] =	ssyncadd.s32 $0xFFFFC000  }
0x2d: {  	[spmem:s7] =	stream.linear.scatter [tilespmem:s17], [sflag:$0x2], $0x4000, $0x38;
	[tilespmem:$0x1D000] =	vst v63  }
0x2e: {  	_ =	swait.ge [sflag:s18], $0x4000  }
0x2f: {  	[sflag:s18] =	ssyncset.done $0x0  }
0x30: {  	[sflag:s18] =	ssyncadd.s32 $0xFFFFC000  }
0x31: {  	[spmem:s8] =	stream.linear.scatter [tilespmem:s17], [sflag:$0x2], $0x4000, $0x38;
	[tilespmem:$0x1D000] =	vst v63  }
0x32: {  	_ =	swait.ge [sflag:s18], $0x4000  }
0x33: {  	[sflag:s18] =	ssyncset.done $0x0  }
0x34: {  	s29 =	simm.s32 $0x0;
	[sflag:s18] =	ssyncadd.s32 $0xFFFFC000  }
0x35: {  	[tilespmem:s29], [sflag:$0x2] =	stream.linear.gather [hbm4b:s9+s29], $0x2780, $0x38;
	[tilespmem:$0x1D000] =	vst v63  }
0x36: {  	_ =	swait.ge [sflag:s18], $0x2780  }
0x37: {  	[sflag:s18] =	ssyncset.done $0x0  }
0x38: {  	[sflag:s18] =	ssyncadd.s32 $0xFFFFD880  }
0x39: {  	[tilespmem:s19], [sflag:$0x2] =	stream.linear.gather [hbm4b:s10+s29], $0x2780, $0x38;
	[tilespmem:$0x1D000] =	vst v63  }
0x3a: {  	_ =	swait.ge [sflag:s18], $0x2780  }
0x3b: {  	[sflag:s18] =	ssyncset.done $0x0  }
0x3c: {  	[sflag:s18] =	ssyncadd.s32 $0xFFFFD880  }
0x3d: {  	s30 =	simm.s32 $0x0;
	[bflag:$0x0] =	sbarrier.arrive $0xFFFF  }
0x3e: {  	[tilespmem:s17], [sflag:$0x1] =	stream.indirect.gather [hbm4b:s1+s20], $0x80, s30, s20, $0xb8;
	[tilespmem:$0x1D000] =	vst v63  }
0x3f: {  	_ =	swait.ge [sflag:s21], $0x4000  }
0x40: {  	[sflag:s21] =	ssyncset.done $0x0  }
0x41: {  	s31 =	simm.s32 $0x2800;
	[sflag:s21] =	ssyncadd.s32 $0xFFFFC000  }
0x42: {  	[spmem:s3] =	stream.indirect.scatter.add.f32 [tilespmem:s17], [sflag:$0x2], $0x80, s31, s20, $0xb8;
	[tilespmem:$0x1D000] =	vst v63  }
0x43: {  	_ =	swait.ge [sflag:s18], $0x4000  }
0x44: {  	s23 =	simm.s32 $0x200;
	s24 =	simm.s32 $0x400;
	[sflag:s18] =	ssyncset.done $0x0  }
.LBB2_4:
0x45: {  	s25 =	sshra.s32 s23, $0x2  }
0x46: {  	[sflag:s18] =	ssyncadd.s32 $0xFFFFC000;
	s23 =	smov.u32 s24;
	s26 =	sadd.s32 $0x200, s24  }
0x47: {  	[tilespmem:s17], [sflag:$0x1] =	stream.indirect.gather [hbm4b:s1+s20], $0x80, s25, s20, $0xb8;
	[tilespmem:$0x1D000] =	vst v63  }
0x48: {  	p0 =	sne.s32 s24, $0x9C00;
	_ =	swait.ge [sflag:s21], $0x4000  }
.Ltmp1:
0x49: {  	[sflag:s21] =	ssyncset.done $0x0;
	(pc) =	sbr.rel @p0 .LBB2_4-.Ltmp1, $4  }
0x4a: {  	s24 =	sadd.s32 $0x2800, s25;
	[sflag:s21] =	ssyncadd.s32 $0xFFFFC000  }
0x4b: {  	[spmem:s3] =	stream.indirect.scatter.add.f32 [tilespmem:s17], [sflag:$0x2], $0x80, s24, s20, $0xb8;
	[tilespmem:$0x1D000] =	vst v63  }
0x4c: {  	_ =	swait.ge [sflag:s18], $0x4000  }
0x4d: {  	s24 =	smov.u32 s26;
	[sflag:s18] =	ssyncset.done $0x0  }
0x4e: {  	s23 =	sshra.s32 s23, $0x2;
	[sflag:s18] =	ssyncadd.s32 $0xFFFFC000  }
0x4f: {  	[tilespmem:s17], [sflag:$0x1] =	stream.indirect.gather [hbm4b:s1+s20], $0x80, s23, s20, $0xb8;
	[tilespmem:$0x1D000] =	vst v63  }
0x50: {  	_ =	swait.ge [sflag:s21], $0x4000  }
0x51: {  	[sflag:s21] =	ssyncset.done $0x0  }
0x52: {  	s23 =	sadd.s32 $0x2800, s23;
	[sflag:s21] =	ssyncadd.s32 $0xFFFFC000  }
0x53: {  	[spmem:s3] =	stream.indirect.scatter.add.f32 [tilespmem:s17], [sflag:$0x2], $0x80, s23, s20, $0xb8;
	[tilespmem:$0x1D000] =	vst v63  }
0x54: {  	_ =	swait.ge [sflag:s18], $0x4000  }
0x55: {  	[sflag:s18] =	ssyncset.done $0x0  }
0x56: {  	[sflag:s18] =	ssyncadd.s32 $0xFFFFC000  }
0x57: {  	[bflag:$0x0] =	sbarrier.arrive $0xFFFF  }
0x58: {  	[tilespmem:s17], [sflag:$0x2] =	stream.linear.gather [spmem:s3], $0x4000, $0x38;
	[tilespmem:$0x1D000] =	vst v63  }
0x59: {  	_ =	swait.ge [sflag:s18], $0x4000  }
0x5a: {  	[sflag:s18] =	ssyncset.done $0x0  }
0x5b: {  	[sflag:s18] =	ssyncadd.s32 $0xFFFFC000  }
0x5c: {  	[hbm4b:s11+s4] =	stream.linear.scatter [tilespmem:s17], [sflag:$0x2], $0x4000, $0x38;
	[tilespmem:$0x1D000] =	vst v63  }
0x5d: {  	_ =	swait.ge [sflag:s18], $0x4000  }
0x5e: {  	[sflag:s18] =	ssyncset.done $0x0  }
0x5f: {  	[sflag:s18] =	ssyncadd.s32 $0xFFFFC000  }
0x60: {  	[tilespmem:s17], [sflag:$0x2] =	stream.linear.gather [spmem:s5], $0x4000, $0x38;
	[tilespmem:$0x1D000] =	vst v63  }
0x61: {  	_ =	swait.ge [sflag:s18], $0x4000  }
0x62: {  	[sflag:s18] =	ssyncset.done $0x0  }
0x63: {  	[sflag:s18] =	ssyncadd.s32 $0xFFFFC000  }
0x64: {  	[hbm4b:s12+s4] =	stream.linear.scatter [tilespmem:s17], [sflag:$0x2], $0x4000, $0x38;
	[tilespmem:$0x1D000] =	vst v63  }
0x65: {  	_ =	swait.ge [sflag:s18], $0x4000  }
0x66: {  	[sflag:s18] =	ssyncset.done $0x0  }
0x67: {  	[sflag:s18] =	ssyncadd.s32 $0xFFFFC000  }
0x68: {  	[tilespmem:s17], [sflag:$0x2] =	stream.linear.gather [spmem:s6], $0x4000, $0x38;
	[tilespmem:$0x1D000] =	vst v63  }
0x69: {  	_ =	swait.ge [sflag:s18], $0x4000  }
0x6a: {  	[sflag:s18] =	ssyncset.done $0x0  }
0x6b: {  	[sflag:s18] =	ssyncadd.s32 $0xFFFFC000  }
0x6c: {  	[hbm4b:s13+s4] =	stream.linear.scatter [tilespmem:s17], [sflag:$0x2], $0x4000, $0x38;
	[tilespmem:$0x1D000] =	vst v63  }
0x6d: {  	_ =	swait.ge [sflag:s18], $0x4000  }
0x6e: {  	[sflag:s18] =	ssyncset.done $0x0  }
0x6f: {  	[sflag:s18] =	ssyncadd.s32 $0xFFFFC000  }
0x70: {  	[tilespmem:s17], [sflag:$0x2] =	stream.linear.gather [spmem:s7], $0x4000, $0x38;
	[tilespmem:$0x1D000] =	vst v63  }
0x71: {  	_ =	swait.ge [sflag:s18], $0x4000  }
0x72: {  	[sflag:s18] =	ssyncset.done $0x0  }
0x73: {  	[sflag:s18] =	ssyncadd.s32 $0xFFFFC000  }
0x74: {  	[hbm4b:s14+s4] =	stream.linear.scatter [tilespmem:s17], [sflag:$0x2], $0x4000, $0x38;
	[tilespmem:$0x1D000] =	vst v63  }
0x75: {  	_ =	swait.ge [sflag:s18], $0x4000  }
0x76: {  	[sflag:s18] =	ssyncset.done $0x0  }
0x77: {  	[sflag:s18] =	ssyncadd.s32 $0xFFFFC000  }
0x78: {  	[tilespmem:s17], [sflag:$0x2] =	stream.linear.gather [spmem:s8], $0x4000, $0x38;
	[tilespmem:$0x1D000] =	vst v63  }
0x79: {  	s22 =	sadd.s32 $0x1, s22;
	_ =	swait.ge [sflag:s18], $0x4000  }
0x7a: {  	p0 =	sne.s32 s22, s16;
	[sflag:s18] =	ssyncset.done $0x0  }
.Ltmp2:
0x7b: {  	[sflag:s18] =	ssyncadd.s32 $0xFFFFC000;
	(pc) =	sbr.rel @p0 .LBB2_1-.Ltmp2, $4  }
0x7c: {  	[hbm4b:s15+s4] =	stream.linear.scatter [tilespmem:s17], [sflag:$0x2], $0x4000, $0x38;
	[tilespmem:$0x1D000] =	vst v63  }
0x7d: {  	_ =	swait.ge [sflag:s18], $0x4000  }
0x7e: {  	[sflag:s18] =	ssyncset.done $0x0  }
0x7f: {  	[sflag:s18] =	ssyncadd.s32 $0xFFFFC000  }
0x80: {  	_ =	sfence.sel $0x180000  }
0x81: {  	[bflag:$0x0] =	sbarrier.arrive $0xFFFF  }
0x82: {  	p0 =	sne.s32 s2, $0x0;
	_ =	strace $0x9000004A  }
0x83: {  	s0 =	sadd.s32 @!p0 $0x100000, s0;
	[bflag:$0x2] =	sbarrier.arrive $0xFFFF  }
0x84: {  	[sflag:s0] =	ssyncadd.tile.s32 @!p0 $0x1;
	_ =	shalt  }
.Lfunc_end2:
_tile_overlayer_lowered:
.L_overlay_start_2:
0x85: {  	(tag) =	ssettag $0x2  }
0x86: {  	s0 =	rddreg [dreg:$0x0];
	s2 =	stileid.u32  }
0x87: {  	s1 =	rddreg [dreg:$0x1];
	p0 =	sne.s32 s2, $0x0  }
0x88: {  	s3 =	rddreg [dreg:$0x2];
	[bflag:$0x3] =	sbarrier.arrive $0xFFFF;
	s2 =	simm.s32 @!p0 $0x1C02  }
0x89: {  	[timem:s3], [sflag:s2] =	dma.local @!p0 [hbm:s0], s1  }
0x8a: {  	s0 =	simm.s32 @!p0 $0x2  }
0x8b: {  	_ =	swait.ge @!p0 [sflag:s0], s1  }
0x8c: {  	s1 =	ssub.s32 @!p0 $0x0, s1;
	[sflag:s0] =	ssyncset.done @!p0 $0x0  }
0x8d: {  	[sflag:s0] =	ssyncadd.s32 @!p0 s1  }
0x8e: {  	[bflag:$0x3] =	sbarrier.arrive $0xFFFF  }
0x8f: {  	_ =	shalt  }

</sc_bundles>
